<compile_context>
chip_gen: v7x
topology: tpu7x:2x2x1
jax: 0.10.2.dev20260603
libtpu: 0.0.44.dev20260713+nightly
codegen_flags: <defaults>
</compile_context>

<pallas_src>
import functools

import jax
import jax.numpy as jnp
from jax import lax
from jax.experimental import pallas as pl
from jax.experimental.pallas import tpu as pltpu
from jax.experimental.pallas import tpu_sc as plsc

BATCH = 16384
HIST = 50
DIM = 16
TOTAL = BATCH * HIST
NUM_WORKERS = 32
PER_WORKER = TOTAL // NUM_WORKERS
CHUNK = 2560
NCHUNKS = PER_WORKER // CHUNK
NBUF = 2

_mesh = plsc.VectorSubcoreMesh(core_axis_name="c", subcore_axis_name="s")


@functools.partial(
    pl.kernel,
    mesh=_mesh,
    out_type=jax.ShapeDtypeStruct((TOTAL, DIM), jnp.float32),
    scratch_types=[
        pltpu.VMEM((PER_WORKER,), jnp.int32),
        pltpu.VMEM((NBUF, CHUNK, DIM), jnp.float32),
        pltpu.SemaphoreType.DMA,
        pltpu.SemaphoreType.DMA,
        pltpu.SemaphoreType.DMA,
        pltpu.SemaphoreType.DMA,
    ],
    compiler_params=pltpu.CompilerParams(use_tc_tiling_on_sc=False),
)
def _gather_rows(idx_hbm, table_hbm, out_hbm, idx_v, rows_v, g0, g1, s0, s1):
    wid = lax.axis_index("s") * 2 + lax.axis_index("c")
    base = wid * PER_WORKER
    gsem = (g0, g1)
    ssem = (s0, s1)

    pltpu.sync_copy(idx_hbm.at[pl.ds(base, PER_WORKER)], idx_v)

    def gather_start(g):
        b = g % NBUF
        return pltpu.async_copy(
            table_hbm.at[idx_v.at[pl.ds(g * CHUNK, CHUNK)]],
            rows_v.at[b], gsem[b])

    def store_start(g):
        b = g % NBUF
        return pltpu.async_copy(
            rows_v.at[b], out_hbm.at[pl.ds(base + g * CHUNK, CHUNK)], ssem[b])

    gh = {0: gather_start(0)}
    sh = {}
    for g in range(NCHUNKS):
        if g + 1 < NCHUNKS:
            if g >= 1:
                sh[g - 1].wait()
            gh[g + 1] = gather_start(g + 1)
        gh[g].wait()
        sh[g] = store_start(g)
    sh[NCHUNKS - 2].wait()
    sh[NCHUNKS - 1].wait()


def kernel(action_history, embedding_weight):
    idx = action_history.reshape(-1).astype(jnp.int32)
    out = _gather_rows(idx, embedding_weight)
    return out.reshape(action_history.shape[0], HIST * DIM)

# --- scband reference (transcript-rebuilt; emitter-appended) ---
"""Pipeline reference for scband-action-history-encoder-17179869184003 (READ-ONLY COPY).

The authoritative reference and input builder live on the scoring server;
editing this copy changes nothing except your own understanding.
"""

import jax, jax.numpy as jnp
import numpy as np

NUM_ACTIONS = 100000
EMBEDDING_DIM = 16
BATCH = 16384
HIST_LEN = 50


def setup_inputs(seed: int = 0) -> dict:
    key = jax.random.key(seed)
    k_idx, k_emb = jax.random.split(key)
    action_history = jax.random.randint(k_idx, (BATCH, HIST_LEN), 0, NUM_ACTIONS, dtype=jnp.int64 if jax.config.jax_enable_x64 else jnp.int32)
    embedding_weight = jax.random.normal(k_emb, (NUM_ACTIONS, EMBEDDING_DIM), dtype=jnp.float32)
    return {"action_history": action_history, "embedding_weight": embedding_weight}


def reference(action_history, embedding_weight):
    # nn.Embedding lookup: gather rows of the table
    embedded_actions = jnp.take(embedding_weight, action_history, axis=0)  # [B, L, D]
    # .view(B, -1)
    return embedded_actions.reshape(action_history.shape[0], -1)

if __name__ == "__main__":
    import jax
    _d = setup_inputs()
    print(jax.jit(kernel)(*tuple(_d.values())))

</pallas_src>

<mosaic_0001>
#map = affine_map<(d0, d1) -> (0)>
#map1 = affine_map<(d0, d1) -> (0, 0)>
module attributes {stable_mosaic.version = 14 : i64} {
  func.func @_gather_rows(%arg0: i32, %arg1: i32, %arg2: memref<819200xi32, #tpu.memory_space<hbm>>, %arg3: memref<100000x16xf32, #tpu.memory_space<hbm>>, %arg4: memref<819200x16xf32, #tpu.memory_space<hbm>>, %arg5: memref<25600xi32, #tpu.memory_space<vmem>>, %arg6: memref<2x2560x16xf32, #tpu.memory_space<vmem>>, %arg7: memref<!tpu.dma_semaphore, #tpu.memory_space<semaphore_mem>>, %arg8: memref<!tpu.dma_semaphore, #tpu.memory_space<semaphore_mem>>, %arg9: memref<!tpu.dma_semaphore, #tpu.memory_space<semaphore_mem>>, %arg10: memref<!tpu.dma_semaphore, #tpu.memory_space<semaphore_mem>>) attributes {dimension_semantics = [#tpu.dimension_semantics<core_parallel>, #tpu.dimension_semantics<subcore_parallel>], iteration_bounds = array<i64: 2, 16>, scalar_prefetch = 0 : i64, scratch_operands = 6 : i64, tpu.core_type = #tpu.core_type<sc_vector_subcore>, window_params = [{transform_indices = #map}, {transform_indices = #map1}, {transform_indices = #map1}]} {
    %mul3A = arith.constant 2 : i32
    %mul3A_0 = arith.muli %arg1, %mul3A : i32
    %add3A = arith.addi %mul3A_0, %arg0 : i32
    %mul3A_1 = arith.constant 25600 : i32
    %mul3A_2 = arith.muli %add3A, %mul3A_1 : i32
    "tpu.region"() ({
      %run_scoped3A = tpu.sem_alloc : memref<!tpu.dma_semaphore, #tpu.memory_space<semaphore_mem>>
      %dma_start3A_481 = tpu.memref_slice %arg2[%mul3A_2] : memref<819200xi32, #tpu.memory_space<hbm>> -> memref<25600xi32, #tpu.memory_space<hbm>>
      %dma_start3A_482 = tpu.memref_slice %arg2[%mul3A_2] : memref<819200xi32, #tpu.memory_space<hbm>> -> memref<25600xi32, #tpu.memory_space<hbm>>
      tpu.enqueue_dma source(%dma_start3A_482 : memref<25600xi32, #tpu.memory_space<hbm>>) target(%arg5 : memref<25600xi32, #tpu.memory_space<vmem>>) target_semaphore(%run_scoped3A : memref<!tpu.dma_semaphore, #tpu.memory_space<semaphore_mem>>)
      %dma_wait3A_483 = tpu.memref_slice %arg2[%mul3A_2] : memref<819200xi32, #tpu.memory_space<hbm>> -> memref<25600xi32, #tpu.memory_space<hbm>>
      %dma_wait3A_484 = tpu.memref_slice %arg2[%mul3A_2] : memref<819200xi32, #tpu.memory_space<hbm>> -> memref<25600xi32, #tpu.memory_space<hbm>>
      tpu.wait_dma2 semaphore(%run_scoped3A : memref<!tpu.dma_semaphore, #tpu.memory_space<semaphore_mem>>) src(%dma_wait3A_484 : memref<25600xi32, #tpu.memory_space<hbm>>) dst(%arg5 : memref<25600xi32, #tpu.memory_space<vmem>>)
      tpu.yield
    }) : () -> ()
    %dma_start3A = arith.constant 0 : i32
    %dma_start3A_3 = arith.constant 0 : i32
    %dma_start3A_4 = arith.constant 0 : i32
    %dma_start3A_5 = tpu.memref_slice %arg6[%dma_start3A, %dma_start3A_3, %dma_start3A_4] : memref<2x2560x16xf32, #tpu.memory_space<vmem>> -> memref<1x2560x16xf32, #tpu.memory_space<vmem>>
    %dma_start3A_6 = tpu.memref_squeeze %dma_start3A_5 : memref<1x2560x16xf32, #tpu.memory_space<vmem>> -> memref<2560x16xf32, #tpu.memory_space<vmem>>
    %dma_start3A_7 = arith.constant 0 : i32
    %dma_start3A_8 = tpu.memref_slice %arg5[%dma_start3A_7] : memref<25600xi32, #tpu.memory_space<vmem>> -> memref<2560xi32, #tpu.memory_space<vmem>>
    %dma_start3A_9 = arith.constant 0 : i32
    %dma_start3A_10 = arith.constant 0 : i32
    %dma_start3A_11 = tpu.memref_slice %arg3[%dma_start3A_9, %dma_start3A_10] : memref<100000x16xf32, #tpu.memory_space<hbm>> -> memref<100000x16xf32, #tpu.memory_space<hbm>>
    tpu.enqueue_indirect_dma source(%dma_start3A_11 : memref<100000x16xf32, #tpu.memory_space<hbm>>) target(%dma_start3A_6 : memref<2560x16xf32, #tpu.memory_space<vmem>>) offsets(%dma_start3A_8 : memref<2560xi32, #tpu.memory_space<vmem>>) semaphore(%arg7 : memref<!tpu.dma_semaphore, #tpu.memory_space<semaphore_mem>>)
    %dma_start3A_12 = arith.constant 1 : i32
    %dma_start3A_13 = arith.constant 0 : i32
    %dma_start3A_14 = arith.constant 0 : i32
    %dma_start3A_15 = tpu.memref_slice %arg6[%dma_start3A_12, %dma_start3A_13, %dma_start3A_14] : memref<2x2560x16xf32, #tpu.memory_space<vmem>> -> memref<1x2560x16xf32, #tpu.memory_space<vmem>>
    %dma_start3A_16 = tpu.memref_squeeze %dma_start3A_15 : memref<1x2560x16xf32, #tpu.memory_space<vmem>> -> memref<2560x16xf32, #tpu.memory_space<vmem>>
    %dma_start3A_17 = arith.constant 2560 : i32
    %dma_start3A_18 = tpu.memref_slice %arg5[%dma_start3A_17] : memref<25600xi32, #tpu.memory_space<vmem>> -> memref<2560xi32, #tpu.memory_space<vmem>>
    %dma_start3A_19 = arith.constant 0 : i32
    %dma_start3A_20 = arith.constant 0 : i32
    %dma_start3A_21 = tpu.memref_slice %arg3[%dma_start3A_19, %dma_start3A_20] : memref<100000x16xf32, #tpu.memory_space<hbm>> -> memref<100000x16xf32, #tpu.memory_space<hbm>>
    tpu.enqueue_indirect_dma source(%dma_start3A_21 : memref<100000x16xf32, #tpu.memory_space<hbm>>) target(%dma_start3A_16 : memref<2560x16xf32, #tpu.memory_space<vmem>>) offsets(%dma_start3A_18 : memref<2560xi32, #tpu.memory_space<vmem>>) semaphore(%arg8 : memref<!tpu.dma_semaphore, #tpu.memory_space<semaphore_mem>>)
    %dma_wait3A = arith.constant 0 : i32
    %dma_wait3A_22 = arith.constant 0 : i32
    %dma_wait3A_23 = arith.constant 0 : i32
    %dma_wait3A_24 = tpu.memref_slice %arg6[%dma_wait3A, %dma_wait3A_22, %dma_wait3A_23] : memref<2x2560x16xf32, #tpu.memory_space<vmem>> -> memref<1x2560x16xf32, #tpu.memory_space<vmem>>
    %dma_wait3A_25 = tpu.memref_squeeze %dma_wait3A_24 : memref<1x2560x16xf32, #tpu.memory_space<vmem>> -> memref<2560x16xf32, #tpu.memory_space<vmem>>
    %dma_wait3A_26 = arith.constant 0 : i32
    %dma_wait3A_27 = tpu.memref_slice %arg5[%dma_wait3A_26] : memref<25600xi32, #tpu.memory_space<vmem>> -> memref<2560xi32, #tpu.memory_space<vmem>>
    %dma_wait3A_28 = arith.constant 0 : i32
    %dma_wait3A_29 = arith.constant 0 : i32
    %dma_wait3A_30 = tpu.memref_slice %arg3[%dma_wait3A_28, %dma_wait3A_29] : memref<100000x16xf32, #tpu.memory_space<hbm>> -> memref<100000x16xf32, #tpu.memory_space<hbm>>
    tpu.wait_indirect_dma semaphore(%arg7 : memref<!tpu.dma_semaphore, #tpu.memory_space<semaphore_mem>>) src(%dma_wait3A_30 : memref<100000x16xf32, #tpu.memory_space<hbm>>) dst(%dma_wait3A_25 : memref<2560x16xf32, #tpu.memory_space<vmem>>)
    %add3A_31 = arith.constant 0 : i32
    %add3A_32 = arith.addi %mul3A_2, %add3A_31 : i32
    %dma_start3A_33 = arith.constant 0 : i32
    %dma_start3A_34 = arith.constant 0 : i32
    %dma_start3A_35 = arith.constant 0 : i32
    %dma_start3A_36 = tpu.memref_slice %arg6[%dma_start3A_33, %dma_start3A_34, %dma_start3A_35] : memref<2x2560x16xf32, #tpu.memory_space<vmem>> -> memref<1x2560x16xf32, #tpu.memory_space<vmem>>
    %dma_start3A_37 = tpu.memref_squeeze %dma_start3A_36 : memref<1x2560x16xf32, #tpu.memory_space<vmem>> -> memref<2560x16xf32, #tpu.memory_space<vmem>>
    %dma_start3A_38 = arith.constant 0 : i32
    %dma_start3A_39 = tpu.memref_slice %arg4[%add3A_32, %dma_start3A_38] : memref<819200x16xf32, #tpu.memory_space<hbm>> -> memref<2560x16xf32, #tpu.memory_space<hbm>>
    %dma_start3A_40 = arith.constant 0 : i32
    %dma_start3A_41 = tpu.memref_slice %arg4[%add3A_32, %dma_start3A_40] : memref<819200x16xf32, #tpu.memory_space<hbm>> -> memref<2560x16xf32, #tpu.memory_space<hbm>>
    %dma_start3A_42 = arith.constant 0 : i32
    %dma_start3A_43 = arith.constant 0 : i32
    %dma_start3A_44 = tpu.memref_slice %arg6[%dma_start3A_33, %dma_start3A_42, %dma_start3A_43] : memref<2x2560x16xf32, #tpu.memory_space<vmem>> -> memref<1x2560x16xf32, #tpu.memory_space<vmem>>
    %dma_start3A_45 = tpu.memref_squeeze %dma_start3A_44 : memref<1x2560x16xf32, #tpu.memory_space<vmem>> -> memref<2560x16xf32, #tpu.memory_space<vmem>>
    tpu.enqueue_dma source(%dma_start3A_45 : memref<2560x16xf32, #tpu.memory_space<vmem>>) target(%dma_start3A_41 : memref<2560x16xf32, #tpu.memory_space<hbm>>) target_semaphore(%arg9 : memref<!tpu.dma_semaphore, #tpu.memory_space<semaphore_mem>>)
    %dma_wait3A_46 = arith.constant 0 : i32
    %dma_wait3A_47 = arith.constant 0 : i32
    %dma_wait3A_48 = arith.constant 0 : i32
    %dma_wait3A_49 = tpu.memref_slice %arg6[%dma_wait3A_46, %dma_wait3A_47, %dma_wait3A_48] : memref<2x2560x16xf32, #tpu.memory_space<vmem>> -> memref<1x2560x16xf32, #tpu.memory_space<vmem>>
    %dma_wait3A_50 = tpu.memref_squeeze %dma_wait3A_49 : memref<1x2560x16xf32, #tpu.memory_space<vmem>> -> memref<2560x16xf32, #tpu.memory_space<vmem>>
    %dma_wait3A_51 = arith.constant 0 : i32
    %dma_wait3A_52 = tpu.memref_slice %arg4[%add3A_32, %dma_wait3A_51] : memref<819200x16xf32, #tpu.memory_space<hbm>> -> memref<2560x16xf32, #tpu.memory_space<hbm>>
    %dma_wait3A_53 = arith.constant 0 : i32
    %dma_wait3A_54 = tpu.memref_slice %arg4[%add3A_32, %dma_wait3A_53] : memref<819200x16xf32, #tpu.memory_space<hbm>> -> memref<2560x16xf32, #tpu.memory_space<hbm>>
    %dma_wait3A_55 = arith.constant 0 : i32
    %dma_wait3A_56 = arith.constant 0 : i32
    %dma_wait3A_57 = tpu.memref_slice %arg6[%dma_wait3A_46, %dma_wait3A_55, %dma_wait3A_56] : memref<2x2560x16xf32, #tpu.memory_space<vmem>> -> memref<1x2560x16xf32, #tpu.memory_space<vmem>>
    %dma_wait3A_58 = tpu.memref_squeeze %dma_wait3A_57 : memref<1x2560x16xf32, #tpu.memory_space<vmem>> -> memref<2560x16xf32, #tpu.memory_space<vmem>>
    tpu.wait_dma2 semaphore(%arg9 : memref<!tpu.dma_semaphore, #tpu.memory_space<semaphore_mem>>) src(%dma_wait3A_58 : memref<2560x16xf32, #tpu.memory_space<vmem>>) dst(%dma_wait3A_54 : memref<2560x16xf32, #tpu.memory_space<hbm>>)
    %dma_start3A_59 = arith.constant 0 : i32
    %dma_start3A_60 = arith.constant 0 : i32
    %dma_start3A_61 = arith.constant 0 : i32
    %dma_start3A_62 = tpu.memref_slice %arg6[%dma_start3A_59, %dma_start3A_60, %dma_start3A_61] : memref<2x2560x16xf32, #tpu.memory_space<vmem>> -> memref<1x2560x16xf32, #tpu.memory_space<vmem>>
    %dma_start3A_63 = tpu.memref_squeeze %dma_start3A_62 : memref<1x2560x16xf32, #tpu.memory_space<vmem>> -> memref<2560x16xf32, #tpu.memory_space<vmem>>
    %dma_start3A_64 = arith.constant 5120 : i32
    %dma_start3A_65 = tpu.memref_slice %arg5[%dma_start3A_64] : memref<25600xi32, #tpu.memory_space<vmem>> -> memref<2560xi32, #tpu.memory_space<vmem>>
    %dma_start3A_66 = arith.constant 0 : i32
    %dma_start3A_67 = arith.constant 0 : i32
    %dma_start3A_68 = tpu.memref_slice %arg3[%dma_start3A_66, %dma_start3A_67] : memref<100000x16xf32, #tpu.memory_space<hbm>> -> memref<100000x16xf32, #tpu.memory_space<hbm>>
    tpu.enqueue_indirect_dma source(%dma_start3A_68 : memref<100000x16xf32, #tpu.memory_space<hbm>>) target(%dma_start3A_63 : memref<2560x16xf32, #tpu.memory_space<vmem>>) offsets(%dma_start3A_65 : memref<2560xi32, #tpu.memory_space<vmem>>) semaphore(%arg7 : memref<!tpu.dma_semaphore, #tpu.memory_space<semaphore_mem>>)
    %dma_wait3A_69 = arith.constant 1 : i32
    %dma_wait3A_70 = arith.constant 0 : i32
    %dma_wait3A_71 = arith.constant 0 : i32
    %dma_wait3A_72 = tpu.memref_slice %arg6[%dma_wait3A_69, %dma_wait3A_70, %dma_wait3A_71] : memref<2x2560x16xf32, #tpu.memory_space<vmem>> -> memref<1x2560x16xf32, #tpu.memory_space<vmem>>
    %dma_wait3A_73 = tpu.memref_squeeze %dma_wait3A_72 : memref<1x2560x16xf32, #tpu.memory_space<vmem>> -> memref<2560x16xf32, #tpu.memory_space<vmem>>
    %dma_wait3A_74 = arith.constant 2560 : i32
    %dma_wait3A_75 = tpu.memref_slice %arg5[%dma_wait3A_74] : memref<25600xi32, #tpu.memory_space<vmem>> -> memref<2560xi32, #tpu.memory_space<vmem>>
    %dma_wait3A_76 = arith.constant 0 : i32
    %dma_wait3A_77 = arith.constant 0 : i32
    %dma_wait3A_78 = tpu.memref_slice %arg3[%dma_wait3A_76, %dma_wait3A_77] : memref<100000x16xf32, #tpu.memory_space<hbm>> -> memref<100000x16xf32, #tpu.memory_space<hbm>>
    tpu.wait_indirect_dma semaphore(%arg8 : memref<!tpu.dma_semaphore, #tpu.memory_space<semaphore_mem>>) src(%dma_wait3A_78 : memref<100000x16xf32, #tpu.memory_space<hbm>>) dst(%dma_wait3A_73 : memref<2560x16xf32, #tpu.memory_space<vmem>>)
    %add3A_79 = arith.constant 2560 : i32
    %add3A_80 = arith.addi %mul3A_2, %add3A_79 : i32
    %dma_start3A_81 = arith.constant 1 : i32
    %dma_start3A_82 = arith.constant 0 : i32
    %dma_start3A_83 = arith.constant 0 : i32
    %dma_start3A_84 = tpu.memref_slice %arg6[%dma_start3A_81, %dma_start3A_82, %dma_start3A_83] : memref<2x2560x16xf32, #tpu.memory_space<vmem>> -> memref<1x2560x16xf32, #tpu.memory_space<vmem>>
    %dma_start3A_85 = tpu.memref_squeeze %dma_start3A_84 : memref<1x2560x16xf32, #tpu.memory_space<vmem>> -> memref<2560x16xf32, #tpu.memory_space<vmem>>
    %dma_start3A_86 = arith.constant 0 : i32
    %dma_start3A_87 = tpu.memref_slice %arg4[%add3A_80, %dma_start3A_86] : memref<819200x16xf32, #tpu.memory_space<hbm>> -> memref<2560x16xf32, #tpu.memory_space<hbm>>
    %dma_start3A_88 = arith.constant 0 : i32
    %dma_start3A_89 = tpu.memref_slice %arg4[%add3A_80, %dma_start3A_88] : memref<819200x16xf32, #tpu.memory_space<hbm>> -> memref<2560x16xf32, #tpu.memory_space<hbm>>
    %dma_start3A_90 = arith.constant 0 : i32
    %dma_start3A_91 = arith.constant 0 : i32
    %dma_start3A_92 = tpu.memref_slice %arg6[%dma_start3A_81, %dma_start3A_90, %dma_start3A_91] : memref<2x2560x16xf32, #tpu.memory_space<vmem>> -> memref<1x2560x16xf32, #tpu.memory_space<vmem>>
    %dma_start3A_93 = tpu.memref_squeeze %dma_start3A_92 : memref<1x2560x16xf32, #tpu.memory_space<vmem>> -> memref<2560x16xf32, #tpu.memory_space<vmem>>
    tpu.enqueue_dma source(%dma_start3A_93 : memref<2560x16xf32, #tpu.memory_space<vmem>>) target(%dma_start3A_89 : memref<2560x16xf32, #tpu.memory_space<hbm>>) target_semaphore(%arg10 : memref<!tpu.dma_semaphore, #tpu.memory_space<semaphore_mem>>)
    %dma_wait3A_94 = arith.constant 1 : i32
    %dma_wait3A_95 = arith.constant 0 : i32
    %dma_wait3A_96 = arith.constant 0 : i32
    %dma_wait3A_97 = tpu.memref_slice %arg6[%dma_wait3A_94, %dma_wait3A_95, %dma_wait3A_96] : memref<2x2560x16xf32, #tpu.memory_space<vmem>> -> memref<1x2560x16xf32, #tpu.memory_space<vmem>>
    %dma_wait3A_98 = tpu.memref_squeeze %dma_wait3A_97 : memref<1x2560x16xf32, #tpu.memory_space<vmem>> -> memref<2560x16xf32, #tpu.memory_space<vmem>>
    %dma_wait3A_99 = arith.constant 0 : i32
    %dma_wait3A_100 = tpu.memref_slice %arg4[%add3A_80, %dma_wait3A_99] : memref<819200x16xf32, #tpu.memory_space<hbm>> -> memref<2560x16xf32, #tpu.memory_space<hbm>>
    %dma_wait3A_101 = arith.constant 0 : i32
    %dma_wait3A_102 = tpu.memref_slice %arg4[%add3A_80, %dma_wait3A_101] : memref<819200x16xf32, #tpu.memory_space<hbm>> -> memref<2560x16xf32, #tpu.memory_space<hbm>>
    %dma_wait3A_103 = arith.constant 0 : i32
    %dma_wait3A_104 = arith.constant 0 : i32
    %dma_wait3A_105 = tpu.memref_slice %arg6[%dma_wait3A_94, %dma_wait3A_103, %dma_wait3A_104] : memref<2x2560x16xf32, #tpu.memory_space<vmem>> -> memref<1x2560x16xf32, #tpu.memory_space<vmem>>
    %dma_wait3A_106 = tpu.memref_squeeze %dma_wait3A_105 : memref<1x2560x16xf32, #tpu.memory_space<vmem>> -> memref<2560x16xf32, #tpu.memory_space<vmem>>
    tpu.wait_dma2 semaphore(%arg10 : memref<!tpu.dma_semaphore, #tpu.memory_space<semaphore_mem>>) src(%dma_wait3A_106 : memref<2560x16xf32, #tpu.memory_space<vmem>>) dst(%dma_wait3A_102 : memref<2560x16xf32, #tpu.memory_space<hbm>>)
    %dma_start3A_107 = arith.constant 1 : i32
    %dma_start3A_108 = arith.constant 0 : i32
    %dma_start3A_109 = arith.constant 0 : i32
    %dma_start3A_110 = tpu.memref_slice %arg6[%dma_start3A_107, %dma_start3A_108, %dma_start3A_109] : memref<2x2560x16xf32, #tpu.memory_space<vmem>> -> memref<1x2560x16xf32, #tpu.memory_space<vmem>>
    %dma_start3A_111 = tpu.memref_squeeze %dma_start3A_110 : memref<1x2560x16xf32, #tpu.memory_space<vmem>> -> memref<2560x16xf32, #tpu.memory_space<vmem>>
    %dma_start3A_112 = arith.constant 7680 : i32
    %dma_start3A_113 = tpu.memref_slice %arg5[%dma_start3A_112] : memref<25600xi32, #tpu.memory_space<vmem>> -> memref<2560xi32, #tpu.memory_space<vmem>>
    %dma_start3A_114 = arith.constant 0 : i32
    %dma_start3A_115 = arith.constant 0 : i32
    %dma_start3A_116 = tpu.memref_slice %arg3[%dma_start3A_114, %dma_start3A_115] : memref<100000x16xf32, #tpu.memory_space<hbm>> -> memref<100000x16xf32, #tpu.memory_space<hbm>>
    tpu.enqueue_indirect_dma source(%dma_start3A_116 : memref<100000x16xf32, #tpu.memory_space<hbm>>) target(%dma_start3A_111 : memref<2560x16xf32, #tpu.memory_space<vmem>>) offsets(%dma_start3A_113 : memref<2560xi32, #tpu.memory_space<vmem>>) semaphore(%arg8 : memref<!tpu.dma_semaphore, #tpu.memory_space<semaphore_mem>>)
    %dma_wait3A_117 = arith.constant 0 : i32
    %dma_wait3A_118 = arith.constant 0 : i32
    %dma_wait3A_119 = arith.constant 0 : i32
    %dma_wait3A_120 = tpu.memref_slice %arg6[%dma_wait3A_117, %dma_wait3A_118, %dma_wait3A_119] : memref<2x2560x16xf32, #tpu.memory_space<vmem>> -> memref<1x2560x16xf32, #tpu.memory_space<vmem>>
    %dma_wait3A_121 = tpu.memref_squeeze %dma_wait3A_120 : memref<1x2560x16xf32, #tpu.memory_space<vmem>> -> memref<2560x16xf32, #tpu.memory_space<vmem>>
    %dma_wait3A_122 = arith.constant 5120 : i32
    %dma_wait3A_123 = tpu.memref_slice %arg5[%dma_wait3A_122] : memref<25600xi32, #tpu.memory_space<vmem>> -> memref<2560xi32, #tpu.memory_space<vmem>>
    %dma_wait3A_124 = arith.constant 0 : i32
    %dma_wait3A_125 = arith.constant 0 : i32
    %dma_wait3A_126 = tpu.memref_slice %arg3[%dma_wait3A_124, %dma_wait3A_125] : memref<100000x16xf32, #tpu.memory_space<hbm>> -> memref<100000x16xf32, #tpu.memory_space<hbm>>
    tpu.wait_indirect_dma semaphore(%arg7 : memref<!tpu.dma_semaphore, #tpu.memory_space<semaphore_mem>>) src(%dma_wait3A_126 : memref<100000x16xf32, #tpu.memory_space<hbm>>) dst(%dma_wait3A_121 : memref<2560x16xf32, #tpu.memory_space<vmem>>)
    %add3A_127 = arith.constant 5120 : i32
    %add3A_128 = arith.addi %mul3A_2, %add3A_127 : i32
    %dma_start3A_129 = arith.constant 0 : i32
    %dma_start3A_130 = arith.constant 0 : i32
    %dma_start3A_131 = arith.constant 0 : i32
    %dma_start3A_132 = tpu.memref_slice %arg6[%dma_start3A_129, %dma_start3A_130, %dma_start3A_131] : memref<2x2560x16xf32, #tpu.memory_space<vmem>> -> memref<1x2560x16xf32, #tpu.memory_space<vmem>>
    %dma_start3A_133 = tpu.memref_squeeze %dma_start3A_132 : memref<1x2560x16xf32, #tpu.memory_space<vmem>> -> memref<2560x16xf32, #tpu.memory_space<vmem>>
    %dma_start3A_134 = arith.constant 0 : i32
    %dma_start3A_135 = tpu.memref_slice %arg4[%add3A_128, %dma_start3A_134] : memref<819200x16xf32, #tpu.memory_space<hbm>> -> memref<2560x16xf32, #tpu.memory_space<hbm>>
    %dma_start3A_136 = arith.constant 0 : i32
    %dma_start3A_137 = tpu.memref_slice %arg4[%add3A_128, %dma_start3A_136] : memref<819200x16xf32, #tpu.memory_space<hbm>> -> memref<2560x16xf32, #tpu.memory_space<hbm>>
    %dma_start3A_138 = arith.constant 0 : i32
    %dma_start3A_139 = arith.constant 0 : i32
    %dma_start3A_140 = tpu.memref_slice %arg6[%dma_start3A_129, %dma_start3A_138, %dma_start3A_139] : memref<2x2560x16xf32, #tpu.memory_space<vmem>> -> memref<1x2560x16xf32, #tpu.memory_space<vmem>>
    %dma_start3A_141 = tpu.memref_squeeze %dma_start3A_140 : memref<1x2560x16xf32, #tpu.memory_space<vmem>> -> memref<2560x16xf32, #tpu.memory_space<vmem>>
    tpu.enqueue_dma source(%dma_start3A_141 : memref<2560x16xf32, #tpu.memory_space<vmem>>) target(%dma_start3A_137 : memref<2560x16xf32, #tpu.memory_space<hbm>>) target_semaphore(%arg9 : memref<!tpu.dma_semaphore, #tpu.memory_space<semaphore_mem>>)
    %dma_wait3A_142 = arith.constant 0 : i32
    %dma_wait3A_143 = arith.constant 0 : i32
    %dma_wait3A_144 = arith.constant 0 : i32
    %dma_wait3A_145 = tpu.memref_slice %arg6[%dma_wait3A_142, %dma_wait3A_143, %dma_wait3A_144] : memref<2x2560x16xf32, #tpu.memory_space<vmem>> -> memref<1x2560x16xf32, #tpu.memory_space<vmem>>
    %dma_wait3A_146 = tpu.memref_squeeze %dma_wait3A_145 : memref<1x2560x16xf32, #tpu.memory_space<vmem>> -> memref<2560x16xf32, #tpu.memory_space<vmem>>
    %dma_wait3A_147 = arith.constant 0 : i32
    %dma_wait3A_148 = tpu.memref_slice %arg4[%add3A_128, %dma_wait3A_147] : memref<819200x16xf32, #tpu.memory_space<hbm>> -> memref<2560x16xf32, #tpu.memory_space<hbm>>
    %dma_wait3A_149 = arith.constant 0 : i32
    %dma_wait3A_150 = tpu.memref_slice %arg4[%add3A_128, %dma_wait3A_149] : memref<819200x16xf32, #tpu.memory_space<hbm>> -> memref<2560x16xf32, #tpu.memory_space<hbm>>
    %dma_wait3A_151 = arith.constant 0 : i32
    %dma_wait3A_152 = arith.constant 0 : i32
    %dma_wait3A_153 = tpu.memref_slice %arg6[%dma_wait3A_142, %dma_wait3A_151, %dma_wait3A_152] : memref<2x2560x16xf32, #tpu.memory_space<vmem>> -> memref<1x2560x16xf32, #tpu.memory_space<vmem>>
    %dma_wait3A_154 = tpu.memref_squeeze %dma_wait3A_153 : memref<1x2560x16xf32, #tpu.memory_space<vmem>> -> memref<2560x16xf32, #tpu.memory_space<vmem>>
    tpu.wait_dma2 semaphore(%arg9 : memref<!tpu.dma_semaphore, #tpu.memory_space<semaphore_mem>>) src(%dma_wait3A_154 : memref<2560x16xf32, #tpu.memory_space<vmem>>) dst(%dma_wait3A_150 : memref<2560x16xf32, #tpu.memory_space<hbm>>)
    %dma_start3A_155 = arith.constant 0 : i32
    %dma_start3A_156 = arith.constant 0 : i32
    %dma_start3A_157 = arith.constant 0 : i32
    %dma_start3A_158 = tpu.memref_slice %arg6[%dma_start3A_155, %dma_start3A_156, %dma_start3A_157] : memref<2x2560x16xf32, #tpu.memory_space<vmem>> -> memref<1x2560x16xf32, #tpu.memory_space<vmem>>
    %dma_start3A_159 = tpu.memref_squeeze %dma_start3A_158 : memref<1x2560x16xf32, #tpu.memory_space<vmem>> -> memref<2560x16xf32, #tpu.memory_space<vmem>>
    %dma_start3A_160 = arith.constant 10240 : i32
    %dma_start3A_161 = tpu.memref_slice %arg5[%dma_start3A_160] : memref<25600xi32, #tpu.memory_space<vmem>> -> memref<2560xi32, #tpu.memory_space<vmem>>
    %dma_start3A_162 = arith.constant 0 : i32
    %dma_start3A_163 = arith.constant 0 : i32
    %dma_start3A_164 = tpu.memref_slice %arg3[%dma_start3A_162, %dma_start3A_163] : memref<100000x16xf32, #tpu.memory_space<hbm>> -> memref<100000x16xf32, #tpu.memory_space<hbm>>
    tpu.enqueue_indirect_dma source(%dma_start3A_164 : memref<100000x16xf32, #tpu.memory_space<hbm>>) target(%dma_start3A_159 : memref<2560x16xf32, #tpu.memory_space<vmem>>) offsets(%dma_start3A_161 : memref<2560xi32, #tpu.memory_space<vmem>>) semaphore(%arg7 : memref<!tpu.dma_semaphore, #tpu.memory_space<semaphore_mem>>)
    %dma_wait3A_165 = arith.constant 1 : i32
    %dma_wait3A_166 = arith.constant 0 : i32
    %dma_wait3A_167 = arith.constant 0 : i32
    %dma_wait3A_168 = tpu.memref_slice %arg6[%dma_wait3A_165, %dma_wait3A_166, %dma_wait3A_167] : memref<2x2560x16xf32, #tpu.memory_space<vmem>> -> memref<1x2560x16xf32, #tpu.memory_space<vmem>>
    %dma_wait3A_169 = tpu.memref_squeeze %dma_wait3A_168 : memref<1x2560x16xf32, #tpu.memory_space<vmem>> -> memref<2560x16xf32, #tpu.memory_space<vmem>>
    %dma_wait3A_170 = arith.constant 7680 : i32
    %dma_wait3A_171 = tpu.memref_slice %arg5[%dma_wait3A_170] : memref<25600xi32, #tpu.memory_space<vmem>> -> memref<2560xi32, #tpu.memory_space<vmem>>
    %dma_wait3A_172 = arith.constant 0 : i32
    %dma_wait3A_173 = arith.constant 0 : i32
    %dma_wait3A_174 = tpu.memref_slice %arg3[%dma_wait3A_172, %dma_wait3A_173] : memref<100000x16xf32, #tpu.memory_space<hbm>> -> memref<100000x16xf32, #tpu.memory_space<hbm>>
    tpu.wait_indirect_dma semaphore(%arg8 : memref<!tpu.dma_semaphore, #tpu.memory_space<semaphore_mem>>) src(%dma_wait3A_174 : memref<100000x16xf32, #tpu.memory_space<hbm>>) dst(%dma_wait3A_169 : memref<2560x16xf32, #tpu.memory_space<vmem>>)
    %add3A_175 = arith.constant 7680 : i32
    %add3A_176 = arith.addi %mul3A_2, %add3A_175 : i32
    %dma_start3A_177 = arith.constant 1 : i32
    %dma_start3A_178 = arith.constant 0 : i32
    %dma_start3A_179 = arith.constant 0 : i32
    %dma_start3A_180 = tpu.memref_slice %arg6[%dma_start3A_177, %dma_start3A_178, %dma_start3A_179] : memref<2x2560x16xf32, #tpu.memory_space<vmem>> -> memref<1x2560x16xf32, #tpu.memory_space<vmem>>
    %dma_start3A_181 = tpu.memref_squeeze %dma_start3A_180 : memref<1x2560x16xf32, #tpu.memory_space<vmem>> -> memref<2560x16xf32, #tpu.memory_space<vmem>>
    %dma_start3A_182 = arith.constant 0 : i32
    %dma_start3A_183 = tpu.memref_slice %arg4[%add3A_176, %dma_start3A_182] : memref<819200x16xf32, #tpu.memory_space<hbm>> -> memref<2560x16xf32, #tpu.memory_space<hbm>>
    %dma_start3A_184 = arith.constant 0 : i32
    %dma_start3A_185 = tpu.memref_slice %arg4[%add3A_176, %dma_start3A_184] : memref<819200x16xf32, #tpu.memory_space<hbm>> -> memref<2560x16xf32, #tpu.memory_space<hbm>>
    %dma_start3A_186 = arith.constant 0 : i32
    %dma_start3A_187 = arith.constant 0 : i32
    %dma_start3A_188 = tpu.memref_slice %arg6[%dma_start3A_177, %dma_start3A_186, %dma_start3A_187] : memref<2x2560x16xf32, #tpu.memory_space<vmem>> -> memref<1x2560x16xf32, #tpu.memory_space<vmem>>
    %dma_start3A_189 = tpu.memref_squeeze %dma_start3A_188 : memref<1x2560x16xf32, #tpu.memory_space<vmem>> -> memref<2560x16xf32, #tpu.memory_space<vmem>>
    tpu.enqueue_dma source(%dma_start3A_189 : memref<2560x16xf32, #tpu.memory_space<vmem>>) target(%dma_start3A_185 : memref<2560x16xf32, #tpu.memory_space<hbm>>) target_semaphore(%arg10 : memref<!tpu.dma_semaphore, #tpu.memory_space<semaphore_mem>>)
    %dma_wait3A_190 = arith.constant 1 : i32
    %dma_wait3A_191 = arith.constant 0 : i32
    %dma_wait3A_192 = arith.constant 0 : i32
    %dma_wait3A_193 = tpu.memref_slice %arg6[%dma_wait3A_190, %dma_wait3A_191, %dma_wait3A_192] : memref<2x2560x16xf32, #tpu.memory_space<vmem>> -> memref<1x2560x16xf32, #tpu.memory_space<vmem>>
    %dma_wait3A_194 = tpu.memref_squeeze %dma_wait3A_193 : memref<1x2560x16xf32, #tpu.memory_space<vmem>> -> memref<2560x16xf32, #tpu.memory_space<vmem>>
    %dma_wait3A_195 = arith.constant 0 : i32
    %dma_wait3A_196 = tpu.memref_slice %arg4[%add3A_176, %dma_wait3A_195] : memref<819200x16xf32, #tpu.memory_space<hbm>> -> memref<2560x16xf32, #tpu.memory_space<hbm>>
    %dma_wait3A_197 = arith.constant 0 : i32
    %dma_wait3A_198 = tpu.memref_slice %arg4[%add3A_176, %dma_wait3A_197] : memref<819200x16xf32, #tpu.memory_space<hbm>> -> memref<2560x16xf32, #tpu.memory_space<hbm>>
    %dma_wait3A_199 = arith.constant 0 : i32
    %dma_wait3A_200 = arith.constant 0 : i32
    %dma_wait3A_201 = tpu.memref_slice %arg6[%dma_wait3A_190, %dma_wait3A_199, %dma_wait3A_200] : memref<2x2560x16xf32, #tpu.memory_space<vmem>> -> memref<1x2560x16xf32, #tpu.memory_space<vmem>>
    %dma_wait3A_202 = tpu.memref_squeeze %dma_wait3A_201 : memref<1x2560x16xf32, #tpu.memory_space<vmem>> -> memref<2560x16xf32, #tpu.memory_space<vmem>>
    tpu.wait_dma2 semaphore(%arg10 : memref<!tpu.dma_semaphore, #tpu.memory_space<semaphore_mem>>) src(%dma_wait3A_202 : memref<2560x16xf32, #tpu.memory_space<vmem>>) dst(%dma_wait3A_198 : memref<2560x16xf32, #tpu.memory_space<hbm>>)
    %dma_start3A_203 = arith.constant 1 : i32
    %dma_start3A_204 = arith.constant 0 : i32
    %dma_start3A_205 = arith.constant 0 : i32
    %dma_start3A_206 = tpu.memref_slice %arg6[%dma_start3A_203, %dma_start3A_204, %dma_start3A_205] : memref<2x2560x16xf32, #tpu.memory_space<vmem>> -> memref<1x2560x16xf32, #tpu.memory_space<vmem>>
    %dma_start3A_207 = tpu.memref_squeeze %dma_start3A_206 : memref<1x2560x16xf32, #tpu.memory_space<vmem>> -> memref<2560x16xf32, #tpu.memory_space<vmem>>
    %dma_start3A_208 = arith.constant 12800 : i32
    %dma_start3A_209 = tpu.memref_slice %arg5[%dma_start3A_208] : memref<25600xi32, #tpu.memory_space<vmem>> -> memref<2560xi32, #tpu.memory_space<vmem>>
    %dma_start3A_210 = arith.constant 0 : i32
    %dma_start3A_211 = arith.constant 0 : i32
    %dma_start3A_212 = tpu.memref_slice %arg3[%dma_start3A_210, %dma_start3A_211] : memref<100000x16xf32, #tpu.memory_space<hbm>> -> memref<100000x16xf32, #tpu.memory_space<hbm>>
    tpu.enqueue_indirect_dma source(%dma_start3A_212 : memref<100000x16xf32, #tpu.memory_space<hbm>>) target(%dma_start3A_207 : memref<2560x16xf32, #tpu.memory_space<vmem>>) offsets(%dma_start3A_209 : memref<2560xi32, #tpu.memory_space<vmem>>) semaphore(%arg8 : memref<!tpu.dma_semaphore, #tpu.memory_space<semaphore_mem>>)
    %dma_wait3A_213 = arith.constant 0 : i32
    %dma_wait3A_214 = arith.constant 0 : i32
    %dma_wait3A_215 = arith.constant 0 : i32
    %dma_wait3A_216 = tpu.memref_slice %arg6[%dma_wait3A_213, %dma_wait3A_214, %dma_wait3A_215] : memref<2x2560x16xf32, #tpu.memory_space<vmem>> -> memref<1x2560x16xf32, #tpu.memory_space<vmem>>
    %dma_wait3A_217 = tpu.memref_squeeze %dma_wait3A_216 : memref<1x2560x16xf32, #tpu.memory_space<vmem>> -> memref<2560x16xf32, #tpu.memory_space<vmem>>
    %dma_wait3A_218 = arith.constant 10240 : i32
    %dma_wait3A_219 = tpu.memref_slice %arg5[%dma_wait3A_218] : memref<25600xi32, #tpu.memory_space<vmem>> -> memref<2560xi32, #tpu.memory_space<vmem>>
    %dma_wait3A_220 = arith.constant 0 : i32
    %dma_wait3A_221 = arith.constant 0 : i32
    %dma_wait3A_222 = tpu.memref_slice %arg3[%dma_wait3A_220, %dma_wait3A_221] : memref<100000x16xf32, #tpu.memory_space<hbm>> -> memref<100000x16xf32, #tpu.memory_space<hbm>>
    tpu.wait_indirect_dma semaphore(%arg7 : memref<!tpu.dma_semaphore, #tpu.memory_space<semaphore_mem>>) src(%dma_wait3A_222 : memref<100000x16xf32, #tpu.memory_space<hbm>>) dst(%dma_wait3A_217 : memref<2560x16xf32, #tpu.memory_space<vmem>>)
    %add3A_223 = arith.constant 10240 : i32
    %add3A_224 = arith.addi %mul3A_2, %add3A_223 : i32
    %dma_start3A_225 = arith.constant 0 : i32
    %dma_start3A_226 = arith.constant 0 : i32
    %dma_start3A_227 = arith.constant 0 : i32
    %dma_start3A_228 = tpu.memref_slice %arg6[%dma_start3A_225, %dma_start3A_226, %dma_start3A_227] : memref<2x2560x16xf32, #tpu.memory_space<vmem>> -> memref<1x2560x16xf32, #tpu.memory_space<vmem>>
    %dma_start3A_229 = tpu.memref_squeeze %dma_start3A_228 : memref<1x2560x16xf32, #tpu.memory_space<vmem>> -> memref<2560x16xf32, #tpu.memory_space<vmem>>
    %dma_start3A_230 = arith.constant 0 : i32
    %dma_start3A_231 = tpu.memref_slice %arg4[%add3A_224, %dma_start3A_230] : memref<819200x16xf32, #tpu.memory_space<hbm>> -> memref<2560x16xf32, #tpu.memory_space<hbm>>
    %dma_start3A_232 = arith.constant 0 : i32
    %dma_start3A_233 = tpu.memref_slice %arg4[%add3A_224, %dma_start3A_232] : memref<819200x16xf32, #tpu.memory_space<hbm>> -> memref<2560x16xf32, #tpu.memory_space<hbm>>
    %dma_start3A_234 = arith.constant 0 : i32
    %dma_start3A_235 = arith.constant 0 : i32
    %dma_start3A_236 = tpu.memref_slice %arg6[%dma_start3A_225, %dma_start3A_234, %dma_start3A_235] : memref<2x2560x16xf32, #tpu.memory_space<vmem>> -> memref<1x2560x16xf32, #tpu.memory_space<vmem>>
    %dma_start3A_237 = tpu.memref_squeeze %dma_start3A_236 : memref<1x2560x16xf32, #tpu.memory_space<vmem>> -> memref<2560x16xf32, #tpu.memory_space<vmem>>
    tpu.enqueue_dma source(%dma_start3A_237 : memref<2560x16xf32, #tpu.memory_space<vmem>>) target(%dma_start3A_233 : memref<2560x16xf32, #tpu.memory_space<hbm>>) target_semaphore(%arg9 : memref<!tpu.dma_semaphore, #tpu.memory_space<semaphore_mem>>)
    %dma_wait3A_238 = arith.constant 0 : i32
    %dma_wait3A_239 = arith.constant 0 : i32
    %dma_wait3A_240 = arith.constant 0 : i32
    %dma_wait3A_241 = tpu.memref_slice %arg6[%dma_wait3A_238, %dma_wait3A_239, %dma_wait3A_240] : memref<2x2560x16xf32, #tpu.memory_space<vmem>> -> memref<1x2560x16xf32, #tpu.memory_space<vmem>>
    %dma_wait3A_242 = tpu.memref_squeeze %dma_wait3A_241 : memref<1x2560x16xf32, #tpu.memory_space<vmem>> -> memref<2560x16xf32, #tpu.memory_space<vmem>>
    %dma_wait3A_243 = arith.constant 0 : i32
    %dma_wait3A_244 = tpu.memref_slice %arg4[%add3A_224, %dma_wait3A_243] : memref<819200x16xf32, #tpu.memory_space<hbm>> -> memref<2560x16xf32, #tpu.memory_space<hbm>>
    %dma_wait3A_245 = arith.constant 0 : i32
    %dma_wait3A_246 = tpu.memref_slice %arg4[%add3A_224, %dma_wait3A_245] : memref<819200x16xf32, #tpu.memory_space<hbm>> -> memref<2560x16xf32, #tpu.memory_space<hbm>>
    %dma_wait3A_247 = arith.constant 0 : i32
    %dma_wait3A_248 = arith.constant 0 : i32
    %dma_wait3A_249 = tpu.memref_slice %arg6[%dma_wait3A_238, %dma_wait3A_247, %dma_wait3A_248] : memref<2x2560x16xf32, #tpu.memory_space<vmem>> -> memref<1x2560x16xf32, #tpu.memory_space<vmem>>
    %dma_wait3A_250 = tpu.memref_squeeze %dma_wait3A_249 : memref<1x2560x16xf32, #tpu.memory_space<vmem>> -> memref<2560x16xf32, #tpu.memory_space<vmem>>
    tpu.wait_dma2 semaphore(%arg9 : memref<!tpu.dma_semaphore, #tpu.memory_space<semaphore_mem>>) src(%dma_wait3A_250 : memref<2560x16xf32, #tpu.memory_space<vmem>>) dst(%dma_wait3A_246 : memref<2560x16xf32, #tpu.memory_space<hbm>>)
    %dma_start3A_251 = arith.constant 0 : i32
    %dma_start3A_252 = arith.constant 0 : i32
    %dma_start3A_253 = arith.constant 0 : i32
    %dma_start3A_254 = tpu.memref_slice %arg6[%dma_start3A_251, %dma_start3A_252, %dma_start3A_253] : memref<2x2560x16xf32, #tpu.memory_space<vmem>> -> memref<1x2560x16xf32, #tpu.memory_space<vmem>>
    %dma_start3A_255 = tpu.memref_squeeze %dma_start3A_254 : memref<1x2560x16xf32, #tpu.memory_space<vmem>> -> memref<2560x16xf32, #tpu.memory_space<vmem>>
    %dma_start3A_256 = arith.constant 15360 : i32
    %dma_start3A_257 = tpu.memref_slice %arg5[%dma_start3A_256] : memref<25600xi32, #tpu.memory_space<vmem>> -> memref<2560xi32, #tpu.memory_space<vmem>>
    %dma_start3A_258 = arith.constant 0 : i32
    %dma_start3A_259 = arith.constant 0 : i32
    %dma_start3A_260 = tpu.memref_slice %arg3[%dma_start3A_258, %dma_start3A_259] : memref<100000x16xf32, #tpu.memory_space<hbm>> -> memref<100000x16xf32, #tpu.memory_space<hbm>>
    tpu.enqueue_indirect_dma source(%dma_start3A_260 : memref<100000x16xf32, #tpu.memory_space<hbm>>) target(%dma_start3A_255 : memref<2560x16xf32, #tpu.memory_space<vmem>>) offsets(%dma_start3A_257 : memref<2560xi32, #tpu.memory_space<vmem>>) semaphore(%arg7 : memref<!tpu.dma_semaphore, #tpu.memory_space<semaphore_mem>>)
    %dma_wait3A_261 = arith.constant 1 : i32
    %dma_wait3A_262 = arith.constant 0 : i32
    %dma_wait3A_263 = arith.constant 0 : i32
    %dma_wait3A_264 = tpu.memref_slice %arg6[%dma_wait3A_261, %dma_wait3A_262, %dma_wait3A_263] : memref<2x2560x16xf32, #tpu.memory_space<vmem>> -> memref<1x2560x16xf32, #tpu.memory_space<vmem>>
    %dma_wait3A_265 = tpu.memref_squeeze %dma_wait3A_264 : memref<1x2560x16xf32, #tpu.memory_space<vmem>> -> memref<2560x16xf32, #tpu.memory_space<vmem>>
    %dma_wait3A_266 = arith.constant 12800 : i32
    %dma_wait3A_267 = tpu.memref_slice %arg5[%dma_wait3A_266] : memref<25600xi32, #tpu.memory_space<vmem>> -> memref<2560xi32, #tpu.memory_space<vmem>>
    %dma_wait3A_268 = arith.constant 0 : i32
    %dma_wait3A_269 = arith.constant 0 : i32
    %dma_wait3A_270 = tpu.memref_slice %arg3[%dma_wait3A_268, %dma_wait3A_269] : memref<100000x16xf32, #tpu.memory_space<hbm>> -> memref<100000x16xf32, #tpu.memory_space<hbm>>
    tpu.wait_indirect_dma semaphore(%arg8 : memref<!tpu.dma_semaphore, #tpu.memory_space<semaphore_mem>>) src(%dma_wait3A_270 : memref<100000x16xf32, #tpu.memory_space<hbm>>) dst(%dma_wait3A_265 : memref<2560x16xf32, #tpu.memory_space<vmem>>)
    %add3A_271 = arith.constant 12800 : i32
    %add3A_272 = arith.addi %mul3A_2, %add3A_271 : i32
    %dma_start3A_273 = arith.constant 1 : i32
    %dma_start3A_274 = arith.constant 0 : i32
    %dma_start3A_275 = arith.constant 0 : i32
    %dma_start3A_276 = tpu.memref_slice %arg6[%dma_start3A_273, %dma_start3A_274, %dma_start3A_275] : memref<2x2560x16xf32, #tpu.memory_space<vmem>> -> memref<1x2560x16xf32, #tpu.memory_space<vmem>>
    %dma_start3A_277 = tpu.memref_squeeze %dma_start3A_276 : memref<1x2560x16xf32, #tpu.memory_space<vmem>> -> memref<2560x16xf32, #tpu.memory_space<vmem>>
    %dma_start3A_278 = arith.constant 0 : i32
    %dma_start3A_279 = tpu.memref_slice %arg4[%add3A_272, %dma_start3A_278] : memref<819200x16xf32, #tpu.memory_space<hbm>> -> memref<2560x16xf32, #tpu.memory_space<hbm>>
    %dma_start3A_280 = arith.constant 0 : i32
    %dma_start3A_281 = tpu.memref_slice %arg4[%add3A_272, %dma_start3A_280] : memref<819200x16xf32, #tpu.memory_space<hbm>> -> memref<2560x16xf32, #tpu.memory_space<hbm>>
    %dma_start3A_282 = arith.constant 0 : i32
    %dma_start3A_283 = arith.constant 0 : i32
    %dma_start3A_284 = tpu.memref_slice %arg6[%dma_start3A_273, %dma_start3A_282, %dma_start3A_283] : memref<2x2560x16xf32, #tpu.memory_space<vmem>> -> memref<1x2560x16xf32, #tpu.memory_space<vmem>>
    %dma_start3A_285 = tpu.memref_squeeze %dma_start3A_284 : memref<1x2560x16xf32, #tpu.memory_space<vmem>> -> memref<2560x16xf32, #tpu.memory_space<vmem>>
    tpu.enqueue_dma source(%dma_start3A_285 : memref<2560x16xf32, #tpu.memory_space<vmem>>) target(%dma_start3A_281 : memref<2560x16xf32, #tpu.memory_space<hbm>>) target_semaphore(%arg10 : memref<!tpu.dma_semaphore, #tpu.memory_space<semaphore_mem>>)
    %dma_wait3A_286 = arith.constant 1 : i32
    %dma_wait3A_287 = arith.constant 0 : i32
    %dma_wait3A_288 = arith.constant 0 : i32
    %dma_wait3A_289 = tpu.memref_slice %arg6[%dma_wait3A_286, %dma_wait3A_287, %dma_wait3A_288] : memref<2x2560x16xf32, #tpu.memory_space<vmem>> -> memref<1x2560x16xf32, #tpu.memory_space<vmem>>
    %dma_wait3A_290 = tpu.memref_squeeze %dma_wait3A_289 : memref<1x2560x16xf32, #tpu.memory_space<vmem>> -> memref<2560x16xf32, #tpu.memory_space<vmem>>
    %dma_wait3A_291 = arith.constant 0 : i32
    %dma_wait3A_292 = tpu.memref_slice %arg4[%add3A_272, %dma_wait3A_291] : memref<819200x16xf32, #tpu.memory_space<hbm>> -> memref<2560x16xf32, #tpu.memory_space<hbm>>
    %dma_wait3A_293 = arith.constant 0 : i32
    %dma_wait3A_294 = tpu.memref_slice %arg4[%add3A_272, %dma_wait3A_293] : memref<819200x16xf32, #tpu.memory_space<hbm>> -> memref<2560x16xf32, #tpu.memory_space<hbm>>
    %dma_wait3A_295 = arith.constant 0 : i32
    %dma_wait3A_296 = arith.constant 0 : i32
    %dma_wait3A_297 = tpu.memref_slice %arg6[%dma_wait3A_286, %dma_wait3A_295, %dma_wait3A_296] : memref<2x2560x16xf32, #tpu.memory_space<vmem>> -> memref<1x2560x16xf32, #tpu.memory_space<vmem>>
    %dma_wait3A_298 = tpu.memref_squeeze %dma_wait3A_297 : memref<1x2560x16xf32, #tpu.memory_space<vmem>> -> memref<2560x16xf32, #tpu.memory_space<vmem>>
    tpu.wait_dma2 semaphore(%arg10 : memref<!tpu.dma_semaphore, #tpu.memory_space<semaphore_mem>>) src(%dma_wait3A_298 : memref<2560x16xf32, #tpu.memory_space<vmem>>) dst(%dma_wait3A_294 : memref<2560x16xf32, #tpu.memory_space<hbm>>)
    %dma_start3A_299 = arith.constant 1 : i32
    %dma_start3A_300 = arith.constant 0 : i32
    %dma_start3A_301 = arith.constant 0 : i32
    %dma_start3A_302 = tpu.memref_slice %arg6[%dma_start3A_299, %dma_start3A_300, %dma_start3A_301] : memref<2x2560x16xf32, #tpu.memory_space<vmem>> -> memref<1x2560x16xf32, #tpu.memory_space<vmem>>
    %dma_start3A_303 = tpu.memref_squeeze %dma_start3A_302 : memref<1x2560x16xf32, #tpu.memory_space<vmem>> -> memref<2560x16xf32, #tpu.memory_space<vmem>>
    %dma_start3A_304 = arith.constant 17920 : i32
    %dma_start3A_305 = tpu.memref_slice %arg5[%dma_start3A_304] : memref<25600xi32, #tpu.memory_space<vmem>> -> memref<2560xi32, #tpu.memory_space<vmem>>
    %dma_start3A_306 = arith.constant 0 : i32
    %dma_start3A_307 = arith.constant 0 : i32
    %dma_start3A_308 = tpu.memref_slice %arg3[%dma_start3A_306, %dma_start3A_307] : memref<100000x16xf32, #tpu.memory_space<hbm>> -> memref<100000x16xf32, #tpu.memory_space<hbm>>
    tpu.enqueue_indirect_dma source(%dma_start3A_308 : memref<100000x16xf32, #tpu.memory_space<hbm>>) target(%dma_start3A_303 : memref<2560x16xf32, #tpu.memory_space<vmem>>) offsets(%dma_start3A_305 : memref<2560xi32, #tpu.memory_space<vmem>>) semaphore(%arg8 : memref<!tpu.dma_semaphore, #tpu.memory_space<semaphore_mem>>)
    %dma_wait3A_309 = arith.constant 0 : i32
    %dma_wait3A_310 = arith.constant 0 : i32
    %dma_wait3A_311 = arith.constant 0 : i32
    %dma_wait3A_312 = tpu.memref_slice %arg6[%dma_wait3A_309, %dma_wait3A_310, %dma_wait3A_311] : memref<2x2560x16xf32, #tpu.memory_space<vmem>> -> memref<1x2560x16xf32, #tpu.memory_space<vmem>>
    %dma_wait3A_313 = tpu.memref_squeeze %dma_wait3A_312 : memref<1x2560x16xf32, #tpu.memory_space<vmem>> -> memref<2560x16xf32, #tpu.memory_space<vmem>>
    %dma_wait3A_314 = arith.constant 15360 : i32
    %dma_wait3A_315 = tpu.memref_slice %arg5[%dma_wait3A_314] : memref<25600xi32, #tpu.memory_space<vmem>> -> memref<2560xi32, #tpu.memory_space<vmem>>
    %dma_wait3A_316 = arith.constant 0 : i32
    %dma_wait3A_317 = arith.constant 0 : i32
    %dma_wait3A_318 = tpu.memref_slice %arg3[%dma_wait3A_316, %dma_wait3A_317] : memref<100000x16xf32, #tpu.memory_space<hbm>> -> memref<100000x16xf32, #tpu.memory_space<hbm>>
    tpu.wait_indirect_dma semaphore(%arg7 : memref<!tpu.dma_semaphore, #tpu.memory_space<semaphore_mem>>) src(%dma_wait3A_318 : memref<100000x16xf32, #tpu.memory_space<hbm>>) dst(%dma_wait3A_313 : memref<2560x16xf32, #tpu.memory_space<vmem>>)
    %add3A_319 = arith.constant 15360 : i32
    %add3A_320 = arith.addi %mul3A_2, %add3A_319 : i32
    %dma_start3A_321 = arith.constant 0 : i32
    %dma_start3A_322 = arith.constant 0 : i32
    %dma_start3A_323 = arith.constant 0 : i32
    %dma_start3A_324 = tpu.memref_slice %arg6[%dma_start3A_321, %dma_start3A_322, %dma_start3A_323] : memref<2x2560x16xf32, #tpu.memory_space<vmem>> -> memref<1x2560x16xf32, #tpu.memory_space<vmem>>
    %dma_start3A_325 = tpu.memref_squeeze %dma_start3A_324 : memref<1x2560x16xf32, #tpu.memory_space<vmem>> -> memref<2560x16xf32, #tpu.memory_space<vmem>>
    %dma_start3A_326 = arith.constant 0 : i32
    %dma_start3A_327 = tpu.memref_slice %arg4[%add3A_320, %dma_start3A_326] : memref<819200x16xf32, #tpu.memory_space<hbm>> -> memref<2560x16xf32, #tpu.memory_space<hbm>>
    %dma_start3A_328 = arith.constant 0 : i32
    %dma_start3A_329 = tpu.memref_slice %arg4[%add3A_320, %dma_start3A_328] : memref<819200x16xf32, #tpu.memory_space<hbm>> -> memref<2560x16xf32, #tpu.memory_space<hbm>>
    %dma_start3A_330 = arith.constant 0 : i32
    %dma_start3A_331 = arith.constant 0 : i32
    %dma_start3A_332 = tpu.memref_slice %arg6[%dma_start3A_321, %dma_start3A_330, %dma_start3A_331] : memref<2x2560x16xf32, #tpu.memory_space<vmem>> -> memref<1x2560x16xf32, #tpu.memory_space<vmem>>
    %dma_start3A_333 = tpu.memref_squeeze %dma_start3A_332 : memref<1x2560x16xf32, #tpu.memory_space<vmem>> -> memref<2560x16xf32, #tpu.memory_space<vmem>>
    tpu.enqueue_dma source(%dma_start3A_333 : memref<2560x16xf32, #tpu.memory_space<vmem>>) target(%dma_start3A_329 : memref<2560x16xf32, #tpu.memory_space<hbm>>) target_semaphore(%arg9 : memref<!tpu.dma_semaphore, #tpu.memory_space<semaphore_mem>>)
    %dma_wait3A_334 = arith.constant 0 : i32
    %dma_wait3A_335 = arith.constant 0 : i32
    %dma_wait3A_336 = arith.constant 0 : i32
    %dma_wait3A_337 = tpu.memref_slice %arg6[%dma_wait3A_334, %dma_wait3A_335, %dma_wait3A_336] : memref<2x2560x16xf32, #tpu.memory_space<vmem>> -> memref<1x2560x16xf32, #tpu.memory_space<vmem>>
    %dma_wait3A_338 = tpu.memref_squeeze %dma_wait3A_337 : memref<1x2560x16xf32, #tpu.memory_space<vmem>> -> memref<2560x16xf32, #tpu.memory_space<vmem>>
    %dma_wait3A_339 = arith.constant 0 : i32
    %dma_wait3A_340 = tpu.memref_slice %arg4[%add3A_320, %dma_wait3A_339] : memref<819200x16xf32, #tpu.memory_space<hbm>> -> memref<2560x16xf32, #tpu.memory_space<hbm>>
    %dma_wait3A_341 = arith.constant 0 : i32
    %dma_wait3A_342 = tpu.memref_slice %arg4[%add3A_320, %dma_wait3A_341] : memref<819200x16xf32, #tpu.memory_space<hbm>> -> memref<2560x16xf32, #tpu.memory_space<hbm>>
    %dma_wait3A_343 = arith.constant 0 : i32
    %dma_wait3A_344 = arith.constant 0 : i32
    %dma_wait3A_345 = tpu.memref_slice %arg6[%dma_wait3A_334, %dma_wait3A_343, %dma_wait3A_344] : memref<2x2560x16xf32, #tpu.memory_space<vmem>> -> memref<1x2560x16xf32, #tpu.memory_space<vmem>>
    %dma_wait3A_346 = tpu.memref_squeeze %dma_wait3A_345 : memref<1x2560x16xf32, #tpu.memory_space<vmem>> -> memref<2560x16xf32, #tpu.memory_space<vmem>>
    tpu.wait_dma2 semaphore(%arg9 : memref<!tpu.dma_semaphore, #tpu.memory_space<semaphore_mem>>) src(%dma_wait3A_346 : memref<2560x16xf32, #tpu.memory_space<vmem>>) dst(%dma_wait3A_342 : memref<2560x16xf32, #tpu.memory_space<hbm>>)
    %dma_start3A_347 = arith.constant 0 : i32
    %dma_start3A_348 = arith.constant 0 : i32
    %dma_start3A_349 = arith.constant 0 : i32
    %dma_start3A_350 = tpu.memref_slice %arg6[%dma_start3A_347, %dma_start3A_348, %dma_start3A_349] : memref<2x2560x16xf32, #tpu.memory_space<vmem>> -> memref<1x2560x16xf32, #tpu.memory_space<vmem>>
    %dma_start3A_351 = tpu.memref_squeeze %dma_start3A_350 : memref<1x2560x16xf32, #tpu.memory_space<vmem>> -> memref<2560x16xf32, #tpu.memory_space<vmem>>
    %dma_start3A_352 = arith.constant 20480 : i32
    %dma_start3A_353 = tpu.memref_slice %arg5[%dma_start3A_352] : memref<25600xi32, #tpu.memory_space<vmem>> -> memref<2560xi32, #tpu.memory_space<vmem>>
    %dma_start3A_354 = arith.constant 0 : i32
    %dma_start3A_355 = arith.constant 0 : i32
    %dma_start3A_356 = tpu.memref_slice %arg3[%dma_start3A_354, %dma_start3A_355] : memref<100000x16xf32, #tpu.memory_space<hbm>> -> memref<100000x16xf32, #tpu.memory_space<hbm>>
    tpu.enqueue_indirect_dma source(%dma_start3A_356 : memref<100000x16xf32, #tpu.memory_space<hbm>>) target(%dma_start3A_351 : memref<2560x16xf32, #tpu.memory_space<vmem>>) offsets(%dma_start3A_353 : memref<2560xi32, #tpu.memory_space<vmem>>) semaphore(%arg7 : memref<!tpu.dma_semaphore, #tpu.memory_space<semaphore_mem>>)
    %dma_wait3A_357 = arith.constant 1 : i32
    %dma_wait3A_358 = arith.constant 0 : i32
    %dma_wait3A_359 = arith.constant 0 : i32
    %dma_wait3A_360 = tpu.memref_slice %arg6[%dma_wait3A_357, %dma_wait3A_358, %dma_wait3A_359] : memref<2x2560x16xf32, #tpu.memory_space<vmem>> -> memref<1x2560x16xf32, #tpu.memory_space<vmem>>
    %dma_wait3A_361 = tpu.memref_squeeze %dma_wait3A_360 : memref<1x2560x16xf32, #tpu.memory_space<vmem>> -> memref<2560x16xf32, #tpu.memory_space<vmem>>
    %dma_wait3A_362 = arith.constant 17920 : i32
    %dma_wait3A_363 = tpu.memref_slice %arg5[%dma_wait3A_362] : memref<25600xi32, #tpu.memory_space<vmem>> -> memref<2560xi32, #tpu.memory_space<vmem>>
    %dma_wait3A_364 = arith.constant 0 : i32
    %dma_wait3A_365 = arith.constant 0 : i32
    %dma_wait3A_366 = tpu.memref_slice %arg3[%dma_wait3A_364, %dma_wait3A_365] : memref<100000x16xf32, #tpu.memory_space<hbm>> -> memref<100000x16xf32, #tpu.memory_space<hbm>>
    tpu.wait_indirect_dma semaphore(%arg8 : memref<!tpu.dma_semaphore, #tpu.memory_space<semaphore_mem>>) src(%dma_wait3A_366 : memref<100000x16xf32, #tpu.memory_space<hbm>>) dst(%dma_wait3A_361 : memref<2560x16xf32, #tpu.memory_space<vmem>>)
    %add3A_367 = arith.constant 17920 : i32
    %add3A_368 = arith.addi %mul3A_2, %add3A_367 : i32
    %dma_start3A_369 = arith.constant 1 : i32
    %dma_start3A_370 = arith.constant 0 : i32
    %dma_start3A_371 = arith.constant 0 : i32
    %dma_start3A_372 = tpu.memref_slice %arg6[%dma_start3A_369, %dma_start3A_370, %dma_start3A_371] : memref<2x2560x16xf32, #tpu.memory_space<vmem>> -> memref<1x2560x16xf32, #tpu.memory_space<vmem>>
    %dma_start3A_373 = tpu.memref_squeeze %dma_start3A_372 : memref<1x2560x16xf32, #tpu.memory_space<vmem>> -> memref<2560x16xf32, #tpu.memory_space<vmem>>
    %dma_start3A_374 = arith.constant 0 : i32
    %dma_start3A_375 = tpu.memref_slice %arg4[%add3A_368, %dma_start3A_374] : memref<819200x16xf32, #tpu.memory_space<hbm>> -> memref<2560x16xf32, #tpu.memory_space<hbm>>
    %dma_start3A_376 = arith.constant 0 : i32
    %dma_start3A_377 = tpu.memref_slice %arg4[%add3A_368, %dma_start3A_376] : memref<819200x16xf32, #tpu.memory_space<hbm>> -> memref<2560x16xf32, #tpu.memory_space<hbm>>
    %dma_start3A_378 = arith.constant 0 : i32
    %dma_start3A_379 = arith.constant 0 : i32
    %dma_start3A_380 = tpu.memref_slice %arg6[%dma_start3A_369, %dma_start3A_378, %dma_start3A_379] : memref<2x2560x16xf32, #tpu.memory_space<vmem>> -> memref<1x2560x16xf32, #tpu.memory_space<vmem>>
    %dma_start3A_381 = tpu.memref_squeeze %dma_start3A_380 : memref<1x2560x16xf32, #tpu.memory_space<vmem>> -> memref<2560x16xf32, #tpu.memory_space<vmem>>
    tpu.enqueue_dma source(%dma_start3A_381 : memref<2560x16xf32, #tpu.memory_space<vmem>>) target(%dma_start3A_377 : memref<2560x16xf32, #tpu.memory_space<hbm>>) target_semaphore(%arg10 : memref<!tpu.dma_semaphore, #tpu.memory_space<semaphore_mem>>)
    %dma_wait3A_382 = arith.constant 1 : i32
    %dma_wait3A_383 = arith.constant 0 : i32
    %dma_wait3A_384 = arith.constant 0 : i32
    %dma_wait3A_385 = tpu.memref_slice %arg6[%dma_wait3A_382, %dma_wait3A_383, %dma_wait3A_384] : memref<2x2560x16xf32, #tpu.memory_space<vmem>> -> memref<1x2560x16xf32, #tpu.memory_space<vmem>>
    %dma_wait3A_386 = tpu.memref_squeeze %dma_wait3A_385 : memref<1x2560x16xf32, #tpu.memory_space<vmem>> -> memref<2560x16xf32, #tpu.memory_space<vmem>>
    %dma_wait3A_387 = arith.constant 0 : i32
    %dma_wait3A_388 = tpu.memref_slice %arg4[%add3A_368, %dma_wait3A_387] : memref<819200x16xf32, #tpu.memory_space<hbm>> -> memref<2560x16xf32, #tpu.memory_space<hbm>>
    %dma_wait3A_389 = arith.constant 0 : i32
    %dma_wait3A_390 = tpu.memref_slice %arg4[%add3A_368, %dma_wait3A_389] : memref<819200x16xf32, #tpu.memory_space<hbm>> -> memref<2560x16xf32, #tpu.memory_space<hbm>>
    %dma_wait3A_391 = arith.constant 0 : i32
    %dma_wait3A_392 = arith.constant 0 : i32
    %dma_wait3A_393 = tpu.memref_slice %arg6[%dma_wait3A_382, %dma_wait3A_391, %dma_wait3A_392] : memref<2x2560x16xf32, #tpu.memory_space<vmem>> -> memref<1x2560x16xf32, #tpu.memory_space<vmem>>
    %dma_wait3A_394 = tpu.memref_squeeze %dma_wait3A_393 : memref<1x2560x16xf32, #tpu.memory_space<vmem>> -> memref<2560x16xf32, #tpu.memory_space<vmem>>
    tpu.wait_dma2 semaphore(%arg10 : memref<!tpu.dma_semaphore, #tpu.memory_space<semaphore_mem>>) src(%dma_wait3A_394 : memref<2560x16xf32, #tpu.memory_space<vmem>>) dst(%dma_wait3A_390 : memref<2560x16xf32, #tpu.memory_space<hbm>>)
    %dma_start3A_395 = arith.constant 1 : i32
    %dma_start3A_396 = arith.constant 0 : i32
    %dma_start3A_397 = arith.constant 0 : i32
    %dma_start3A_398 = tpu.memref_slice %arg6[%dma_start3A_395, %dma_start3A_396, %dma_start3A_397] : memref<2x2560x16xf32, #tpu.memory_space<vmem>> -> memref<1x2560x16xf32, #tpu.memory_space<vmem>>
    %dma_start3A_399 = tpu.memref_squeeze %dma_start3A_398 : memref<1x2560x16xf32, #tpu.memory_space<vmem>> -> memref<2560x16xf32, #tpu.memory_space<vmem>>
    %dma_start3A_400 = arith.constant 23040 : i32
    %dma_start3A_401 = tpu.memref_slice %arg5[%dma_start3A_400] : memref<25600xi32, #tpu.memory_space<vmem>> -> memref<2560xi32, #tpu.memory_space<vmem>>
    %dma_start3A_402 = arith.constant 0 : i32
    %dma_start3A_403 = arith.constant 0 : i32
    %dma_start3A_404 = tpu.memref_slice %arg3[%dma_start3A_402, %dma_start3A_403] : memref<100000x16xf32, #tpu.memory_space<hbm>> -> memref<100000x16xf32, #tpu.memory_space<hbm>>
    tpu.enqueue_indirect_dma source(%dma_start3A_404 : memref<100000x16xf32, #tpu.memory_space<hbm>>) target(%dma_start3A_399 : memref<2560x16xf32, #tpu.memory_space<vmem>>) offsets(%dma_start3A_401 : memref<2560xi32, #tpu.memory_space<vmem>>) semaphore(%arg8 : memref<!tpu.dma_semaphore, #tpu.memory_space<semaphore_mem>>)
    %dma_wait3A_405 = arith.constant 0 : i32
    %dma_wait3A_406 = arith.constant 0 : i32
    %dma_wait3A_407 = arith.constant 0 : i32
    %dma_wait3A_408 = tpu.memref_slice %arg6[%dma_wait3A_405, %dma_wait3A_406, %dma_wait3A_407] : memref<2x2560x16xf32, #tpu.memory_space<vmem>> -> memref<1x2560x16xf32, #tpu.memory_space<vmem>>
    %dma_wait3A_409 = tpu.memref_squeeze %dma_wait3A_408 : memref<1x2560x16xf32, #tpu.memory_space<vmem>> -> memref<2560x16xf32, #tpu.memory_space<vmem>>
    %dma_wait3A_410 = arith.constant 20480 : i32
    %dma_wait3A_411 = tpu.memref_slice %arg5[%dma_wait3A_410] : memref<25600xi32, #tpu.memory_space<vmem>> -> memref<2560xi32, #tpu.memory_space<vmem>>
    %dma_wait3A_412 = arith.constant 0 : i32
    %dma_wait3A_413 = arith.constant 0 : i32
    %dma_wait3A_414 = tpu.memref_slice %arg3[%dma_wait3A_412, %dma_wait3A_413] : memref<100000x16xf32, #tpu.memory_space<hbm>> -> memref<100000x16xf32, #tpu.memory_space<hbm>>
    tpu.wait_indirect_dma semaphore(%arg7 : memref<!tpu.dma_semaphore, #tpu.memory_space<semaphore_mem>>) src(%dma_wait3A_414 : memref<100000x16xf32, #tpu.memory_space<hbm>>) dst(%dma_wait3A_409 : memref<2560x16xf32, #tpu.memory_space<vmem>>)
    %add3A_415 = arith.constant 20480 : i32
    %add3A_416 = arith.addi %mul3A_2, %add3A_415 : i32
    %dma_start3A_417 = arith.constant 0 : i32
    %dma_start3A_418 = arith.constant 0 : i32
    %dma_start3A_419 = arith.constant 0 : i32
    %dma_start3A_420 = tpu.memref_slice %arg6[%dma_start3A_417, %dma_start3A_418, %dma_start3A_419] : memref<2x2560x16xf32, #tpu.memory_space<vmem>> -> memref<1x2560x16xf32, #tpu.memory_space<vmem>>
    %dma_start3A_421 = tpu.memref_squeeze %dma_start3A_420 : memref<1x2560x16xf32, #tpu.memory_space<vmem>> -> memref<2560x16xf32, #tpu.memory_space<vmem>>
    %dma_start3A_422 = arith.constant 0 : i32
    %dma_start3A_423 = tpu.memref_slice %arg4[%add3A_416, %dma_start3A_422] : memref<819200x16xf32, #tpu.memory_space<hbm>> -> memref<2560x16xf32, #tpu.memory_space<hbm>>
    %dma_start3A_424 = arith.constant 0 : i32
    %dma_start3A_425 = tpu.memref_slice %arg4[%add3A_416, %dma_start3A_424] : memref<819200x16xf32, #tpu.memory_space<hbm>> -> memref<2560x16xf32, #tpu.memory_space<hbm>>
    %dma_start3A_426 = arith.constant 0 : i32
    %dma_start3A_427 = arith.constant 0 : i32
    %dma_start3A_428 = tpu.memref_slice %arg6[%dma_start3A_417, %dma_start3A_426, %dma_start3A_427] : memref<2x2560x16xf32, #tpu.memory_space<vmem>> -> memref<1x2560x16xf32, #tpu.memory_space<vmem>>
    %dma_start3A_429 = tpu.memref_squeeze %dma_start3A_428 : memref<1x2560x16xf32, #tpu.memory_space<vmem>> -> memref<2560x16xf32, #tpu.memory_space<vmem>>
    tpu.enqueue_dma source(%dma_start3A_429 : memref<2560x16xf32, #tpu.memory_space<vmem>>) target(%dma_start3A_425 : memref<2560x16xf32, #tpu.memory_space<hbm>>) target_semaphore(%arg9 : memref<!tpu.dma_semaphore, #tpu.memory_space<semaphore_mem>>)
    %dma_wait3A_430 = arith.constant 1 : i32
    %dma_wait3A_431 = arith.constant 0 : i32
    %dma_wait3A_432 = arith.constant 0 : i32
    %dma_wait3A_433 = tpu.memref_slice %arg6[%dma_wait3A_430, %dma_wait3A_431, %dma_wait3A_432] : memref<2x2560x16xf32, #tpu.memory_space<vmem>> -> memref<1x2560x16xf32, #tpu.memory_space<vmem>>
    %dma_wait3A_434 = tpu.memref_squeeze %dma_wait3A_433 : memref<1x2560x16xf32, #tpu.memory_space<vmem>> -> memref<2560x16xf32, #tpu.memory_space<vmem>>
    %dma_wait3A_435 = arith.constant 23040 : i32
    %dma_wait3A_436 = tpu.memref_slice %arg5[%dma_wait3A_435] : memref<25600xi32, #tpu.memory_space<vmem>> -> memref<2560xi32, #tpu.memory_space<vmem>>
    %dma_wait3A_437 = arith.constant 0 : i32
    %dma_wait3A_438 = arith.constant 0 : i32
    %dma_wait3A_439 = tpu.memref_slice %arg3[%dma_wait3A_437, %dma_wait3A_438] : memref<100000x16xf32, #tpu.memory_space<hbm>> -> memref<100000x16xf32, #tpu.memory_space<hbm>>
    tpu.wait_indirect_dma semaphore(%arg8 : memref<!tpu.dma_semaphore, #tpu.memory_space<semaphore_mem>>) src(%dma_wait3A_439 : memref<100000x16xf32, #tpu.memory_space<hbm>>) dst(%dma_wait3A_434 : memref<2560x16xf32, #tpu.memory_space<vmem>>)
    %add3A_440 = arith.constant 23040 : i32
    %add3A_441 = arith.addi %mul3A_2, %add3A_440 : i32
    %dma_start3A_442 = arith.constant 1 : i32
    %dma_start3A_443 = arith.constant 0 : i32
    %dma_start3A_444 = arith.constant 0 : i32
    %dma_start3A_445 = tpu.memref_slice %arg6[%dma_start3A_442, %dma_start3A_443, %dma_start3A_444] : memref<2x2560x16xf32, #tpu.memory_space<vmem>> -> memref<1x2560x16xf32, #tpu.memory_space<vmem>>
    %dma_start3A_446 = tpu.memref_squeeze %dma_start3A_445 : memref<1x2560x16xf32, #tpu.memory_space<vmem>> -> memref<2560x16xf32, #tpu.memory_space<vmem>>
    %dma_start3A_447 = arith.constant 0 : i32
    %dma_start3A_448 = tpu.memref_slice %arg4[%add3A_441, %dma_start3A_447] : memref<819200x16xf32, #tpu.memory_space<hbm>> -> memref<2560x16xf32, #tpu.memory_space<hbm>>
    %dma_start3A_449 = arith.constant 0 : i32
    %dma_start3A_450 = tpu.memref_slice %arg4[%add3A_441, %dma_start3A_449] : memref<819200x16xf32, #tpu.memory_space<hbm>> -> memref<2560x16xf32, #tpu.memory_space<hbm>>
    %dma_start3A_451 = arith.constant 0 : i32
    %dma_start3A_452 = arith.constant 0 : i32
    %dma_start3A_453 = tpu.memref_slice %arg6[%dma_start3A_442, %dma_start3A_451, %dma_start3A_452] : memref<2x2560x16xf32, #tpu.memory_space<vmem>> -> memref<1x2560x16xf32, #tpu.memory_space<vmem>>
    %dma_start3A_454 = tpu.memref_squeeze %dma_start3A_453 : memref<1x2560x16xf32, #tpu.memory_space<vmem>> -> memref<2560x16xf32, #tpu.memory_space<vmem>>
    tpu.enqueue_dma source(%dma_start3A_454 : memref<2560x16xf32, #tpu.memory_space<vmem>>) target(%dma_start3A_450 : memref<2560x16xf32, #tpu.memory_space<hbm>>) target_semaphore(%arg10 : memref<!tpu.dma_semaphore, #tpu.memory_space<semaphore_mem>>)
    %dma_wait3A_455 = arith.constant 0 : i32
    %dma_wait3A_456 = arith.constant 0 : i32
    %dma_wait3A_457 = arith.constant 0 : i32
    %dma_wait3A_458 = tpu.memref_slice %arg6[%dma_wait3A_455, %dma_wait3A_456, %dma_wait3A_457] : memref<2x2560x16xf32, #tpu.memory_space<vmem>> -> memref<1x2560x16xf32, #tpu.memory_space<vmem>>
    %dma_wait3A_459 = tpu.memref_squeeze %dma_wait3A_458 : memref<1x2560x16xf32, #tpu.memory_space<vmem>> -> memref<2560x16xf32, #tpu.memory_space<vmem>>
    %dma_wait3A_460 = arith.constant 0 : i32
    %dma_wait3A_461 = tpu.memref_slice %arg4[%add3A_416, %dma_wait3A_460] : memref<819200x16xf32, #tpu.memory_space<hbm>> -> memref<2560x16xf32, #tpu.memory_space<hbm>>
    %dma_wait3A_462 = arith.constant 0 : i32
    %dma_wait3A_463 = tpu.memref_slice %arg4[%add3A_416, %dma_wait3A_462] : memref<819200x16xf32, #tpu.memory_space<hbm>> -> memref<2560x16xf32, #tpu.memory_space<hbm>>
    %dma_wait3A_464 = arith.constant 0 : i32
    %dma_wait3A_465 = arith.constant 0 : i32
    %dma_wait3A_466 = tpu.memref_slice %arg6[%dma_wait3A_455, %dma_wait3A_464, %dma_wait3A_465] : memref<2x2560x16xf32, #tpu.memory_space<vmem>> -> memref<1x2560x16xf32, #tpu.memory_space<vmem>>
    %dma_wait3A_467 = tpu.memref_squeeze %dma_wait3A_466 : memref<1x2560x16xf32, #tpu.memory_space<vmem>> -> memref<2560x16xf32, #tpu.memory_space<vmem>>
    tpu.wait_dma2 semaphore(%arg9 : memref<!tpu.dma_semaphore, #tpu.memory_space<semaphore_mem>>) src(%dma_wait3A_467 : memref<2560x16xf32, #tpu.memory_space<vmem>>) dst(%dma_wait3A_463 : memref<2560x16xf32, #tpu.memory_space<hbm>>)
    %dma_wait3A_468 = arith.constant 1 : i32
    %dma_wait3A_469 = arith.constant 0 : i32
    %dma_wait3A_470 = arith.constant 0 : i32
    %dma_wait3A_471 = tpu.memref_slice %arg6[%dma_wait3A_468, %dma_wait3A_469, %dma_wait3A_470] : memref<2x2560x16xf32, #tpu.memory_space<vmem>> -> memref<1x2560x16xf32, #tpu.memory_space<vmem>>
    %dma_wait3A_472 = tpu.memref_squeeze %dma_wait3A_471 : memref<1x2560x16xf32, #tpu.memory_space<vmem>> -> memref<2560x16xf32, #tpu.memory_space<vmem>>
    %dma_wait3A_473 = arith.constant 0 : i32
    %dma_wait3A_474 = tpu.memref_slice %arg4[%add3A_441, %dma_wait3A_473] : memref<819200x16xf32, #tpu.memory_space<hbm>> -> memref<2560x16xf32, #tpu.memory_space<hbm>>
    %dma_wait3A_475 = arith.constant 0 : i32
    %dma_wait3A_476 = tpu.memref_slice %arg4[%add3A_441, %dma_wait3A_475] : memref<819200x16xf32, #tpu.memory_space<hbm>> -> memref<2560x16xf32, #tpu.memory_space<hbm>>
    %dma_wait3A_477 = arith.constant 0 : i32
    %dma_wait3A_478 = arith.constant 0 : i32
    %dma_wait3A_479 = tpu.memref_slice %arg6[%dma_wait3A_468, %dma_wait3A_477, %dma_wait3A_478] : memref<2x2560x16xf32, #tpu.memory_space<vmem>> -> memref<1x2560x16xf32, #tpu.memory_space<vmem>>
    %dma_wait3A_480 = tpu.memref_squeeze %dma_wait3A_479 : memref<1x2560x16xf32, #tpu.memory_space<vmem>> -> memref<2560x16xf32, #tpu.memory_space<vmem>>
    tpu.wait_dma2 semaphore(%arg10 : memref<!tpu.dma_semaphore, #tpu.memory_space<semaphore_mem>>) src(%dma_wait3A_480 : memref<2560x16xf32, #tpu.memory_space<vmem>>) dst(%dma_wait3A_476 : memref<2560x16xf32, #tpu.memory_space<hbm>>)
    return
  }
}

</mosaic_0001>

<sc_bundles>
// kernel: kernel.3.cloned.1.call-start
scs
__scs_entry_jumppad:
0x0: {  	(pc) =	sbr.rel $0x88, $3  }
0x1: {  	(tag) =	ssettag $0x0;
	lr =	simm.s32 $0x1  }
0x2: {  	[smem:$0x3F9F] =	sst lr;
	_ =	strace $0xD0000000  }
0x3: {  	_ = 	snop  }
0x4: {  	_ = 	snop  }
0x5: {  	_ = 	snop  }
0x6: {  	_ = 	snop  }
0x7: {  	_ = 	snop  }
__scs_overlays_trampoline_lowered:
0x8: {  	[smem:$0x3FAE] =	sst s0  }
0x9: {  	[smem:$0x3FAF] =	sst s1  }
0xa: {  	[smem:$0x3FB0] =	sst s2  }
0xb: {  	[smem:$0x3FB1] =	sst s3  }
0xc: {  	[smem:$0x3FB2] =	sst s4  }
0xd: {  	[smem:$0x3FB3] =	sst s5  }
0xe: {  	[smem:$0x3FB4] =	sst s6  }
0xf: {  	[smem:$0x3FB5] =	sst s7  }
0x10: {  	[smem:$0x3FB6] =	sst s8  }
0x11: {  	[smem:$0x3FB7] =	sst s9;
	s0 =	simm.s32 @!p0 $0x0  }
0x12: {  	s1 =	sld [smem:$0x3F9D];
	s0 =	simm.s32 @p0 $0x1  }
0x13: {  	[smem:$0x3FB8] =	sst s0;
	s0 =	simm.s32 @!p1 $0x0  }
0x14: {  	s2 =	sld [smem:$0x3F9C];
	s0 =	simm.s32 @p1 $0x1  }
0x15: {  	[smem:$0x3FB9] =	sst s0;
	s0 =	simm.s32 @!p2 $0x0  }
0x16: {  	s3 =	sld [smem:$0x3FDB];
	s0 =	simm.s32 @p2 $0x1  }
0x17: {  	s4 =	simm.s32 $0x1BF5;
	[smem:$0x3FBB] =	sst s0  }
0x18: {  	s0 =	sld [smem:$0x3F9E];
	_ =	swait.ge [sflag:s4], $0x0  }
0x19: {  	s7 =	sld [smem:$0x3F9F]  }
0x1a: {  	s8 =	sadd.s32 $0xFFFFE003, lr  }
0x1b: {  	s9 =	sadd.s32 $0xFFFFFEF7, lr;
	s5 =	simm.s32 $0xFFFFFFFF;
	p2 =	slt.u32 s8, $0xFFFFF086  }
0x1c: {  	p1 =	slt.u32 s9, $0xF7A;
	s5 =	simm.s32 @!p2 $0x0  }
0x1d: {  	s5 =	simm.s32 @p1 $0x1;
	p0 =	seq.s32 s7, s2  }
0x1e: {  	s7 =	smul.u32 @!p0 $0xF7A, s2;
	p2 =	seq.s32 @!p0 s5, $0x0  }
0x1f: {  	s9 =	smul.u32 $0xF7A, s1;
	s8 =	simm.s32 @!p0 $0x1BF5;
	p2 =	por !p2, p0  }
0x20: {  	[sflag:s8] =	ssyncset.s32 @!p0 $0xFFFFF086;
	s6 =	sadd.s32 @!p0 s3, s7;
	s7 =	simm.s32 @!p0 $0x108  }
0x21: {  	s3 =	sadd.s32 s3, s9;
	s6 =	sadd.s32 @!p0 $0x88, s6;
	s7 =	simm.s32 @p2 $0x1082  }
0x22: {  	[simem:s7], [sflag:s8] =	dma.local @!p0 [hbm:s6], $0xF7A  }
0x23: {  	s9 =	sor.u32 $0xD0000000, s2;
	s6 =	simm.s32 $0x108;
	_ =	swait.ge @!p0 [sflag:s8], $0x0  }
0x24: {  	s3 =	sadd.s32 $0x88, s3;
	s6 =	simm.s32 @!p1 $0x1082;
	[sflag:s4] =	ssyncset.s32 $0xFFFFF086  }
0x25: {  	[simem:s6], [sflag:s4] =	dma.local [hbm:s3], $0xF7A  }
0x26: {  	[smem:$0x3F9F] =	sst s1;
	(tag) =	ssettag s2;
	_ =	strace s9  }
0x27: {  	s1 =	sld [smem:$0x3FAF]  }
0x28: {  	s2 =	sld [smem:$0x3FB0]  }
0x29: {  	s4 =	sld [smem:$0x3FB2]  }
0x2a: {  	p0 =	seq.s32 s5, $0x0;
	s5 =	sld [smem:$0x3FB3]  }
0x2b: {  	s6 =	sld [smem:$0x3FB4]  }
0x2c: {  	s7 =	sld [smem:$0x3FB5]  }
0x2d: {  	s3 =	simm.s32 $0x108;
	s8 =	sld [smem:$0x3FB6]  }
0x2e: {  	s3 =	simm.s32 @!p0 $0x1082;
	s9 =	sld [smem:$0x3FB7]  }
0x2f: {  	lr =	sadd.s32 s0, s3;
	s0 =	sld [smem:$0x3FAE]  }
0x30: {  	s3 =	sld [smem:$0x3FB1]  }
0x31: {  	[smem:$0x3FBA] =	sst s10  }
0x32: {  	s10 =	sld [smem:$0x3FB8];
	_ =	sdelay $0x3  }
0x33: {  	p0 =	seq.s32 s10, $0x1;
	s10 =	sld [smem:$0x3FBA];
	_ =	sdelay $0x3  }
0x34: {  	[smem:$0x3FBA] =	sst s10  }
0x35: {  	s10 =	sld [smem:$0x3FB9];
	_ =	sdelay $0x3  }
0x36: {  	p1 =	seq.s32 s10, $0x1;
	s10 =	sld [smem:$0x3FBA];
	_ =	sdelay $0x3  }
0x37: {  	[smem:$0x3FBA] =	sst s10  }
0x38: {  	s10 =	sld [smem:$0x3FBB]  }
0x39: {  	_ = 	snop;
	(pc) =	sbr.ind lr, $3  }
0x3a: {  	_ = 	snop  }
0x3b: {  	_ = 	snop  }
0x3c: {  	p2 =	seq.s32 s10, $0x1;
	s10 =	sld [smem:$0x3FBA]  }
0x3d: {  	_ =	shalt  }
0x3e: {  	_ =	shalt  }
0x3f: {  	_ =	shalt  }
0x40: {  	_ =	shalt  }
0x41: {  	_ =	shalt  }
0x42: {  	_ =	shalt  }
0x43: {  	_ =	shalt  }
0x44: {  	_ =	shalt  }
0x45: {  	_ =	shalt  }
0x46: {  	_ =	shalt  }
0x47: {  	_ =	shalt  }
0x48: {  	_ =	shalt  }
0x49: {  	_ =	shalt  }
0x4a: {  	_ =	shalt  }
0x4b: {  	_ =	shalt  }
0x4c: {  	_ =	shalt  }
0x4d: {  	_ =	shalt  }
0x4e: {  	_ =	shalt  }
0x4f: {  	_ =	shalt  }
0x50: {  	_ =	shalt  }
0x51: {  	_ =	shalt  }
0x52: {  	_ =	shalt  }
0x53: {  	_ =	shalt  }
0x54: {  	_ =	shalt  }
0x55: {  	_ =	shalt  }
0x56: {  	_ =	shalt  }
0x57: {  	_ =	shalt  }
0x58: {  	_ =	shalt  }
0x59: {  	_ =	shalt  }
0x5a: {  	_ =	shalt  }
0x5b: {  	_ =	shalt  }
0x5c: {  	_ =	shalt  }
0x5d: {  	_ =	shalt  }
0x5e: {  	_ =	shalt  }
0x5f: {  	_ =	shalt  }
0x60: {  	_ =	shalt  }
0x61: {  	_ =	shalt  }
0x62: {  	_ =	shalt  }
0x63: {  	_ =	shalt  }
0x64: {  	_ =	shalt  }
0x65: {  	_ =	shalt  }
0x66: {  	_ =	shalt  }
0x67: {  	_ =	shalt  }
0x68: {  	_ =	shalt  }
0x69: {  	_ =	shalt  }
0x6a: {  	_ =	shalt  }
0x6b: {  	_ =	shalt  }
0x6c: {  	_ =	shalt  }
0x6d: {  	_ =	shalt  }
0x6e: {  	_ =	shalt  }
0x6f: {  	_ =	shalt  }
0x70: {  	_ =	shalt  }
0x71: {  	_ =	shalt  }
0x72: {  	_ =	shalt  }
0x73: {  	_ =	shalt  }
0x74: {  	_ =	shalt  }
0x75: {  	_ =	shalt  }
0x76: {  	_ =	shalt  }
0x77: {  	_ =	shalt  }
0x78: {  	_ =	shalt  }
0x79: {  	_ =	shalt  }
0x7a: {  	_ =	shalt  }
0x7b: {  	_ =	shalt  }
0x7c: {  	_ =	shalt  }
0x7d: {  	_ =	shalt  }
0x7e: {  	_ =	shalt  }
0x7f: {  	_ =	shalt  }
0x80: {  	_ =	shalt  }
0x81: {  	_ =	shalt  }
0x82: {  	_ =	shalt  }
0x83: {  	_ =	shalt  }
0x84: {  	_ =	shalt  }
0x85: {  	_ =	shalt  }
0x86: {  	_ =	shalt  }
0x87: {  	_ =	shalt  }
.Lfunc_end0:
.L_simem_size_0:
called_computation.1_lowered:
.L_overlay_start_0:
0x88: {  	s2 =	sld [smem:$0x3FD9]  }
0x89: {  	s3 =	sld [smem:$0x3FFE];
	_ =	sdelay $0x1  }
0x8a: {  	s1 =	srdreg.scid  }
0x8b: {  	s0 =	sand.u32 $0x1, s1  }
0x8c: {  	s17 =	sshll.u32 s0, $0xA;
	s2 =	sadd.s32 s3, s2  }
0x8d: {  	s2 =	sadd.s32 s2, s17  }
0x8e: {  	[smem:$0x3FC6] =	sst s2  }
0x8f: {  	_ = 	snop  }
0x90: {  	s2 =	sld [smem:$0x3FD0];
	(tm) =	ssettm $0x1  }
0x91: {  	s18 =	sld [smem:$0x3FFB];
	_ =	sdelay $0x3  }
0x92: {  	_ =	strace s18  }
0x93: {  	s3 =	sld [smem:$0x3FFC];
	_ =	sdelay $0x3  }
0x94: {  	_ =	strace s3  }
0x95: {  	s3 =	sld [smem:$0x3FFD];
	_ =	sdelay $0x3  }
0x96: {  	_ =	strace s3  }
0x97: {  	_ =	strace $0x8FFFFFFF  }
0x98: {  	s19 =	sld [smem:$0x3FDB];
	_ =	sdelay $0x1  }
0x99: {  	s4 =	simm.s32 $_scs_section_size  }
0x9a: {  	s5 =	simm.s32 $_size__tile_overlayer_lowered;
	s6 =	simm.s32 $_tile_overlayer_lowered  }
0x9b: {  	s22 =	simm.s32 $0x1BFF;
	s21 =	sshll.u32 s6, $0x1;
	s3 =	sadd.s32 s4, s19  }
0x9c: {  	s7 =	simm.s32 $0x0;
	s20 =	sshll.u32 s5, $0x1;
	s5 =	sadd.s32 s21, s3  }
0x9d: {  	[timem:s7], [sflag:s22] =	dma.local [hbm:s5], s20  }
0x9e: {  	_ =	swait.ge [sflag:s22], s20  }
0x9f: {  	s4 =	ssub.s32 $0x0, s20;
	[sflag:s22] =	ssyncset.done $0x0  }
0xa0: {  	[sflag:s22] =	ssyncadd.s32 s4;
	_ =	sdelay $0x1  }
0xa1: {  	s23 =	simm.s32 $0x1B8B  }
0xa2: {  	_ =	swait.ge [sflag:s23], $0x1  }
0xa3: {  	[sflag:s23] =	ssyncset.done $0x0  }
0xa4: {  	s25 =	simm.s32 $0x1B8E;
	s24 =	sld [smem:$0x3FFE];
	[sflag:s23] =	ssyncadd.s32 $0xFFFFFFFF  }
0xa5: {  	s26 =	simm.s32 $execute0_lowered;
	[smem:$0x3FD2] =	sst s25  }
0xa6: {  	s5 =	sshll.u32 s26, $0x1;
	_ =	strace $0x80000046;
	[dreg:$0x1] =	wrdreg $0xFFFFFFFF  }
0xa7: {  	s28 =	simm.s32 $_size_execute0_lowered;
	s3 =	sadd.s32 s3, s5;
	[dreg:$0x0] =	wrdreg $0x0  }
0xa8: {  	s5 =	sshll.u32 s28, $0x1;
	[dreg:$0x2] =	wrdreg s3  }
0xa9: {  	[dreg:$0x3] =	wrdreg s5  }
0xaa: {  	[dreg:$0x4] =	wrdreg $0xC0  }
0xab: {  	_ =	task [dreg:s7], $0x5FFFF  }
0xac: {  	[dreg:$0x1] =	wrdreg $0xFFFFFFFF  }
0xad: {  	[dreg:$0x0] =	wrdreg $0x60  }
0xae: {  	[dreg:$0x2] =	wrdreg s24  }
0xaf: {  	[dreg:$0x3] =	wrdreg s2  }
0xb0: {  	[dreg:$0x4] =	wrdreg $0x9  }
0xb1: {  	_ =	task.clear_ibuf [dreg:s7], $0x5FFFF;
	_ =	strace $0x90000046  }
0xb2: {  	s29 =	simm.s32 $0x9;
	_ =	strace $0x80000048  }
0xb3: {  	_ =	swait.ge [sflag:s29], $0x1  }
0xb4: {  	[sflag:s29] =	ssyncadd.s32 $0xFFFFFFFF  }
0xb5: {  	_ =	strace $0x90000048  }
0xb6: {  	_ =	sfence  }
0xb7: {  	s30 =	sld [smem:$0x0];
	_ =	sdelay $0x2  }
0xb8: {  	s31 =	sshll.u32 s1, $0xD;
	s1 =	sshrl.u32 s1, $0x2  }
0xb9: {  	s3 =	sand.u32 $0x4000, s31;
	s1 =	sadd.s32 s1, s30  }
0xba: {  	s0 =	sor.u32 s3, s0;
	s1 =	sshll.u32 s1, $0x11  }
0xbb: {  	s0 =	sor.u32 s1, s0  }
0xbc: {  	s0 =	sadd.s32 $0x8F2B, s0  }
0xbd: {  	[sflag:s0] =	ssyncadd.remote.s32 $0x1  }
0xbe: {  	_ =	sfence.sel $0xFFFF  }
0xbf: {  	[dreg:$0x0] =	wrdreg $0xFFFFFFFF;
	(pc) =	sbr.abs _section_cstart, $3  }
0xc0: {  	[dreg:$0x1] =	wrdreg $0xFFFFFFFF  }
0xc1: {  	_ =	task.clear_ibuf [dreg:s7], $0x2FFFF;
	_ =	strace $0x9FFFFFFF  }
0xc2: {  	(tm) =	ssettm $0x7FFFFFFF  }
0xc3: {  	_ =	shalt  }
tec
execute0_lowered:
.L_overlay_start_1:
0x0: {  	(tag) =	ssettag $0x1  }
0x1: {  	s1 =	srdreg.scid;
	s0 =	stileid.u32  }
0x2: {  	s30 =	sand.u32 $0x1, s1;
	s26 =	sshll.u32 s0, $0x1  }
0x3: {  	s11 =	sor.u32 s30, s26  }
0x4: {  	s3 =	smul.u32 $0xC80, s11  }
0x5: {  	s4 =	rddreg [dreg:$0x0]  }
0x6: {  	s13 =	rddreg [dreg:$0x1];
	s2 =	simm.s32 $0x0;
	s3 =	sadd.s32 s3, s4  }
0x7: {  	[smem:$0x7FF] =	sst s2;
	s3 =	sadd.s32 $0xA00, s3  }
0x8: {  	_ =	strace $0x80000047;
	[dreg:$0x3] =	wrdreg s3  }
0x9: {  	s3 =	simm.s32 $0x5;
	s5 =	rddreg [dreg:$0x3]  }
0xa: {  	[tilespmem:s2], [sflag:$0x5] =	stream.linear.gather [hbm4b:s5+s2], $0x6400, $0x38;
	[tilespmem:$0x1A400] =	vst v63  }
0xb: {  	_ =	swait.ge [sflag:s3], $0x6400  }
0xc: {  	s6 =	simm.s32 $0x6400;
	[sflag:s3] =	ssyncset.done $0x0  }
0xd: {  	s4 =	sadd.s32 $0x19A00, s4;
	s5 =	simm.s32 $0xA00;
	[sflag:s3] =	ssyncadd.s32 $0xFFFF9C00  }
0xe: {  	[tilespmem:s6], [sflag:$0x1] =	stream.indirect.gather [hbm4b:s4+s5], $0x10, s2, s5, $0xb8;
	[tilespmem:$0x1A400] =	vst v63  }
0xf: {  	s7 =	simm.s32 $0x10400;
	s8 =	simm.s32 $0x1  }
0x10: {  	[tilespmem:s7], [sflag:$0x2] =	stream.indirect.gather [hbm4b:s4+s5], $0x10, s5, s5, $0xb8;
	[tilespmem:$0x1A400] =	vst v63  }
0x11: {  	s9 =	smul.u32 $0xC800, s11;
	_ =	swait.ge [sflag:s8], $0xA000  }
0x12: {  	[sflag:s8] =	ssyncset.done $0x0  }
0x13: {  	s10 =	simm.s32 $0x3;
	s9 =	sadd.s32 s13, s9;
	[sflag:s8] =	ssyncadd.s32 $0xFFFF6000  }
0x14: {  	[hbm4b:s9+s2] =	stream.linear.scatter [tilespmem:s6], [sflag:$0x3], $0xA000, $0x38;
	[tilespmem:$0x1A400] =	vst v63  }
0x15: {  	_ =	swait.ge [sflag:s10], $0xA000  }
0x16: {  	s12 =	simm.s32 $0x2;
	[sflag:s10] =	ssyncset.done $0x0  }
0x17: {  	s14 =	smul.u32 $0x64000, s11;
	s11 =	simm.s32 $0x1400;
	[sflag:s10] =	ssyncadd.s32 $0xFFFF6000  }
0x18: {  	[tilespmem:s6], [sflag:$0x1] =	stream.indirect.gather [hbm4b:s4+s5], $0x10, s11, s5, $0xb8;
	[tilespmem:$0x1A400] =	vst v63  }
0x19: {  	s14 =	sshrl.u32 s14, $0x3;
	_ =	swait.ge [sflag:s12], $0xA000  }
0x1a: {  	s31 =	sadd.s32 s13, s14;
	[sflag:s12] =	ssyncset.done $0x0  }
0x1b: {  	s13 =	simm.s32 $0x4;
	s14 =	sadd.s32 $0x1400, s31;
	[sflag:s12] =	ssyncadd.s32 $0xFFFF6000  }
0x1c: {  	[hbm4b:s14+s2] =	stream.linear.scatter [tilespmem:s7], [sflag:$0x4], $0xA000, $0x38;
	[tilespmem:$0x1A400] =	vst v63  }
0x1d: {  	_ =	swait.ge [sflag:s13], $0xA000  }
0x1e: {  	[sflag:s13] =	ssyncset.done $0x0  }
0x1f: {  	s15 =	simm.s32 $0x1E00;
	[sflag:s13] =	ssyncadd.s32 $0xFFFF6000  }
0x20: {  	[tilespmem:s7], [sflag:$0x2] =	stream.indirect.gather [hbm4b:s4+s5], $0x10, s15, s5, $0xb8;
	[tilespmem:$0x1A400] =	vst v63  }
0x21: {  	_ =	swait.ge [sflag:s8], $0xA000  }
0x22: {  	[sflag:s8] =	ssyncset.done $0x0  }
0x23: {  	s16 =	sadd.s32 $0x2800, s31;
	[sflag:s8] =	ssyncadd.s32 $0xFFFF6000  }
0x24: {  	[hbm4b:s16+s2] =	stream.linear.scatter [tilespmem:s6], [sflag:$0x3], $0xA000, $0x38;
	[tilespmem:$0x1A400] =	vst v63  }
0x25: {  	_ =	swait.ge [sflag:s10], $0xA000  }
0x26: {  	[sflag:s10] =	ssyncset.done $0x0  }
0x27: {  	s17 =	simm.s32 $0x2800;
	[sflag:s10] =	ssyncadd.s32 $0xFFFF6000  }
0x28: {  	[tilespmem:s6], [sflag:$0x1] =	stream.indirect.gather [hbm4b:s4+s5], $0x10, s17, s5, $0xb8;
	[tilespmem:$0x1A400] =	vst v63  }
0x29: {  	_ =	swait.ge [sflag:s12], $0xA000  }
0x2a: {  	[sflag:s12] =	ssyncset.done $0x0  }
0x2b: {  	s18 =	sadd.s32 $0x3C00, s31;
	[sflag:s12] =	ssyncadd.s32 $0xFFFF6000  }
0x2c: {  	[hbm4b:s18+s2] =	stream.linear.scatter [tilespmem:s7], [sflag:$0x4], $0xA000, $0x38;
	[tilespmem:$0x1A400] =	vst v63  }
0x2d: {  	_ =	swait.ge [sflag:s13], $0xA000  }
0x2e: {  	[sflag:s13] =	ssyncset.done $0x0  }
0x2f: {  	s19 =	simm.s32 $0x3200;
	[sflag:s13] =	ssyncadd.s32 $0xFFFF6000  }
0x30: {  	[tilespmem:s7], [sflag:$0x2] =	stream.indirect.gather [hbm4b:s4+s5], $0x10, s19, s5, $0xb8;
	[tilespmem:$0x1A400] =	vst v63  }
0x31: {  	_ =	swait.ge [sflag:s8], $0xA000  }
0x32: {  	[sflag:s8] =	ssyncset.done $0x0  }
0x33: {  	s20 =	sadd.s32 $0x5000, s31;
	[sflag:s8] =	ssyncadd.s32 $0xFFFF6000  }
0x34: {  	[hbm4b:s20+s2] =	stream.linear.scatter [tilespmem:s6], [sflag:$0x3], $0xA000, $0x38;
	[tilespmem:$0x1A400] =	vst v63  }
0x35: {  	_ =	swait.ge [sflag:s10], $0xA000  }
0x36: {  	[sflag:s10] =	ssyncset.done $0x0  }
0x37: {  	s21 =	simm.s32 $0x3C00;
	[sflag:s10] =	ssyncadd.s32 $0xFFFF6000  }
0x38: {  	[tilespmem:s6], [sflag:$0x1] =	stream.indirect.gather [hbm4b:s4+s5], $0x10, s21, s5, $0xb8;
	[tilespmem:$0x1A400] =	vst v63  }
0x39: {  	_ =	swait.ge [sflag:s12], $0xA000  }
0x3a: {  	[sflag:s12] =	ssyncset.done $0x0  }
0x3b: {  	s22 =	sadd.s32 $0x6400, s31;
	[sflag:s12] =	ssyncadd.s32 $0xFFFF6000  }
0x3c: {  	[hbm4b:s22+s2] =	stream.linear.scatter [tilespmem:s7], [sflag:$0x4], $0xA000, $0x38;
	[tilespmem:$0x1A400] =	vst v63  }
0x3d: {  	_ =	swait.ge [sflag:s13], $0xA000  }
0x3e: {  	[sflag:s13] =	ssyncset.done $0x0  }
0x3f: {  	s23 =	simm.s32 $0x4600;
	[sflag:s13] =	ssyncadd.s32 $0xFFFF6000  }
0x40: {  	[tilespmem:s7], [sflag:$0x2] =	stream.indirect.gather [hbm4b:s4+s5], $0x10, s23, s5, $0xb8;
	[tilespmem:$0x1A400] =	vst v63  }
0x41: {  	_ =	swait.ge [sflag:s8], $0xA000  }
0x42: {  	[sflag:s8] =	ssyncset.done $0x0  }
0x43: {  	s24 =	sadd.s32 $0x7800, s31;
	[sflag:s8] =	ssyncadd.s32 $0xFFFF6000  }
0x44: {  	[hbm4b:s24+s2] =	stream.linear.scatter [tilespmem:s6], [sflag:$0x3], $0xA000, $0x38;
	[tilespmem:$0x1A400] =	vst v63  }
0x45: {  	_ =	swait.ge [sflag:s10], $0xA000  }
0x46: {  	[sflag:s10] =	ssyncset.done $0x0  }
0x47: {  	s25 =	simm.s32 $0x5000;
	[sflag:s10] =	ssyncadd.s32 $0xFFFF6000  }
0x48: {  	[tilespmem:s6], [sflag:$0x1] =	stream.indirect.gather [hbm4b:s4+s5], $0x10, s25, s5, $0xb8;
	[tilespmem:$0x1A400] =	vst v63  }
0x49: {  	_ =	swait.ge [sflag:s12], $0xA000  }
0x4a: {  	[sflag:s12] =	ssyncset.done $0x0  }
0x4b: {  	s26 =	sadd.s32 $0x8C00, s31;
	[sflag:s12] =	ssyncadd.s32 $0xFFFF6000  }
0x4c: {  	[hbm4b:s26+s2] =	stream.linear.scatter [tilespmem:s7], [sflag:$0x4], $0xA000, $0x38;
	[tilespmem:$0x1A400] =	vst v63  }
0x4d: {  	_ =	swait.ge [sflag:s13], $0xA000  }
0x4e: {  	[sflag:s13] =	ssyncset.done $0x0  }
0x4f: {  	s28 =	simm.s32 $0x5A00;
	[sflag:s13] =	ssyncadd.s32 $0xFFFF6000  }
0x50: {  	[tilespmem:s7], [sflag:$0x2] =	stream.indirect.gather [hbm4b:s4+s5], $0x10, s28, s5, $0xb8;
	[tilespmem:$0x1A400] =	vst v63  }
0x51: {  	_ =	swait.ge [sflag:s8], $0xA000  }
0x52: {  	s1 =	ssub.s32 $0x2, s30;
	s29 =	sadd.s32 $0xA000, s31;
	[sflag:s8] =	ssyncset.done $0x0  }
0x53: {  	s30 =	sadd.s32 $0xB400, s31;
	s31 =	sshrl.u32 s1, $0x1;
	[sflag:s8] =	ssyncadd.s32 $0xFFFF6000  }
0x54: {  	[hbm4b:s29+s2] =	stream.linear.scatter [tilespmem:s6], [sflag:$0x3], $0xA000, $0x38;
	[tilespmem:$0x1A400] =	vst v63  }
0x55: {  	s1 =	ssub.s32 s1, s31;
	_ =	swait.ge [sflag:s12], $0xA000  }
0x56: {  	s1 =	smax.u32 s1, $0x1;
	[sflag:s12] =	ssyncset.done $0x0  }
0x57: {  	p0 =	sne.s32 s1, $0x1;
	[sflag:s12] =	ssyncadd.s32 $0xFFFF6000  }
0x58: {  	[hbm4b:s30+s2] =	stream.linear.scatter [tilespmem:s7], [sflag:$0x4], $0xA000, $0x38;
	[tilespmem:$0x1A400] =	vst v63  }
.Ltmp0:
0x59: {  	_ =	swait.ge [sflag:s10], $0xA000;
	(pc) =	sbr.rel @!p0 .LBB2_2-.Ltmp0, $4  }
0x5a: {  	[sflag:s10] =	ssyncset.done $0x0  }
0x5b: {  	[sflag:s10] =	ssyncadd.s32 $0xFFFF6000  }
0x5c: {  	_ =	swait.ge [sflag:s13], $0xA000  }
0x5d: {  	s31 =	sadd.s32 $0xFFFFFFFF, s1;
	[sflag:s13] =	ssyncset.done $0x0  }
.LBB2_1:
0x5e: {  	s1 =	rddreg [dreg:$0x3];
	[sflag:s13] =	ssyncadd.s32 $0xFFFF6000  }
0x5f: {  	[tilespmem:s2], [sflag:$0x5] =	stream.linear.gather [hbm4b:s1+s2], $0x6400, $0x38;
	[tilespmem:$0x1A400] =	vst v63  }
0x60: {  	_ =	swait.ge [sflag:s3], $0x6400  }
0x61: {  	[sflag:s3] =	ssyncset.done $0x0  }
0x62: {  	[sflag:s3] =	ssyncadd.s32 $0xFFFF9C00  }
0x63: {  	[tilespmem:s6], [sflag:$0x1] =	stream.indirect.gather [hbm4b:s4+s5], $0x10, s2, s5, $0xb8;
	[tilespmem:$0x1A400] =	vst v63  }
0x64: {  	_ = 	snop  }
0x65: {  	[tilespmem:s7], [sflag:$0x2] =	stream.indirect.gather [hbm4b:s4+s5], $0x10, s5, s5, $0xb8;
	[tilespmem:$0x1A400] =	vst v63  }
0x66: {  	_ =	swait.ge [sflag:s8], $0xA000  }
0x67: {  	[sflag:s8] =	ssyncset.done $0x0  }
0x68: {  	[sflag:s8] =	ssyncadd.s32 $0xFFFF6000  }
0x69: {  	[hbm4b:s9+s2] =	stream.linear.scatter [tilespmem:s6], [sflag:$0x3], $0xA000, $0x38;
	[tilespmem:$0x1A400] =	vst v63  }
0x6a: {  	_ =	swait.ge [sflag:s10], $0xA000  }
0x6b: {  	[sflag:s10] =	ssyncset.done $0x0  }
0x6c: {  	[sflag:s10] =	ssyncadd.s32 $0xFFFF6000  }
0x6d: {  	[tilespmem:s6], [sflag:$0x1] =	stream.indirect.gather [hbm4b:s4+s5], $0x10, s11, s5, $0xb8;
	[tilespmem:$0x1A400] =	vst v63  }
0x6e: {  	_ =	swait.ge [sflag:s12], $0xA000  }
0x6f: {  	[sflag:s12] =	ssyncset.done $0x0  }
0x70: {  	[sflag:s12] =	ssyncadd.s32 $0xFFFF6000  }
0x71: {  	[hbm4b:s14+s2] =	stream.linear.scatter [tilespmem:s7], [sflag:$0x4], $0xA000, $0x38;
	[tilespmem:$0x1A400] =	vst v63  }
0x72: {  	_ =	swait.ge [sflag:s13], $0xA000  }
0x73: {  	[sflag:s13] =	ssyncset.done $0x0  }
0x74: {  	[sflag:s13] =	ssyncadd.s32 $0xFFFF6000  }
0x75: {  	[tilespmem:s7], [sflag:$0x2] =	stream.indirect.gather [hbm4b:s4+s5], $0x10, s15, s5, $0xb8;
	[tilespmem:$0x1A400] =	vst v63  }
0x76: {  	_ =	swait.ge [sflag:s8], $0xA000  }
0x77: {  	[sflag:s8] =	ssyncset.done $0x0  }
0x78: {  	[sflag:s8] =	ssyncadd.s32 $0xFFFF6000  }
0x79: {  	[hbm4b:s16+s2] =	stream.linear.scatter [tilespmem:s6], [sflag:$0x3], $0xA000, $0x38;
	[tilespmem:$0x1A400] =	vst v63  }
0x7a: {  	_ =	swait.ge [sflag:s10], $0xA000  }
0x7b: {  	[sflag:s10] =	ssyncset.done $0x0  }
0x7c: {  	[sflag:s10] =	ssyncadd.s32 $0xFFFF6000  }
0x7d: {  	[tilespmem:s6], [sflag:$0x1] =	stream.indirect.gather [hbm4b:s4+s5], $0x10, s17, s5, $0xb8;
	[tilespmem:$0x1A400] =	vst v63  }
0x7e: {  	_ =	swait.ge [sflag:s12], $0xA000  }
0x7f: {  	[sflag:s12] =	ssyncset.done $0x0  }
0x80: {  	[sflag:s12] =	ssyncadd.s32 $0xFFFF6000  }
0x81: {  	[hbm4b:s18+s2] =	stream.linear.scatter [tilespmem:s7], [sflag:$0x4], $0xA000, $0x38;
	[tilespmem:$0x1A400] =	vst v63  }
0x82: {  	_ =	swait.ge [sflag:s13], $0xA000  }
0x83: {  	[sflag:s13] =	ssyncset.done $0x0  }
0x84: {  	[sflag:s13] =	ssyncadd.s32 $0xFFFF6000  }
0x85: {  	[tilespmem:s7], [sflag:$0x2] =	stream.indirect.gather [hbm4b:s4+s5], $0x10, s19, s5, $0xb8;
	[tilespmem:$0x1A400] =	vst v63  }
0x86: {  	_ =	swait.ge [sflag:s8], $0xA000  }
0x87: {  	[sflag:s8] =	ssyncset.done $0x0  }
0x88: {  	[sflag:s8] =	ssyncadd.s32 $0xFFFF6000  }
0x89: {  	[hbm4b:s20+s2] =	stream.linear.scatter [tilespmem:s6], [sflag:$0x3], $0xA000, $0x38;
	[tilespmem:$0x1A400] =	vst v63  }
0x8a: {  	_ =	swait.ge [sflag:s10], $0xA000  }
0x8b: {  	[sflag:s10] =	ssyncset.done $0x0  }
0x8c: {  	[sflag:s10] =	ssyncadd.s32 $0xFFFF6000  }
0x8d: {  	[tilespmem:s6], [sflag:$0x1] =	stream.indirect.gather [hbm4b:s4+s5], $0x10, s21, s5, $0xb8;
	[tilespmem:$0x1A400] =	vst v63  }
0x8e: {  	_ =	swait.ge [sflag:s12], $0xA000  }
0x8f: {  	[sflag:s12] =	ssyncset.done $0x0  }
0x90: {  	[sflag:s12] =	ssyncadd.s32 $0xFFFF6000  }
0x91: {  	[hbm4b:s22+s2] =	stream.linear.scatter [tilespmem:s7], [sflag:$0x4], $0xA000, $0x38;
	[tilespmem:$0x1A400] =	vst v63  }
0x92: {  	_ =	swait.ge [sflag:s13], $0xA000  }
0x93: {  	[sflag:s13] =	ssyncset.done $0x0  }
0x94: {  	[sflag:s13] =	ssyncadd.s32 $0xFFFF6000  }
0x95: {  	[tilespmem:s7], [sflag:$0x2] =	stream.indirect.gather [hbm4b:s4+s5], $0x10, s23, s5, $0xb8;
	[tilespmem:$0x1A400] =	vst v63  }
0x96: {  	_ =	swait.ge [sflag:s8], $0xA000  }
0x97: {  	[sflag:s8] =	ssyncset.done $0x0  }
0x98: {  	[sflag:s8] =	ssyncadd.s32 $0xFFFF6000  }
0x99: {  	[hbm4b:s24+s2] =	stream.linear.scatter [tilespmem:s6], [sflag:$0x3], $0xA000, $0x38;
	[tilespmem:$0x1A400] =	vst v63  }
0x9a: {  	_ =	swait.ge [sflag:s10], $0xA000  }
0x9b: {  	[sflag:s10] =	ssyncset.done $0x0  }
0x9c: {  	[sflag:s10] =	ssyncadd.s32 $0xFFFF6000  }
0x9d: {  	[tilespmem:s6], [sflag:$0x1] =	stream.indirect.gather [hbm4b:s4+s5], $0x10, s25, s5, $0xb8;
	[tilespmem:$0x1A400] =	vst v63  }
0x9e: {  	_ =	swait.ge [sflag:s12], $0xA000  }
0x9f: {  	[sflag:s12] =	ssyncset.done $0x0  }
0xa0: {  	[sflag:s12] =	ssyncadd.s32 $0xFFFF6000  }
0xa1: {  	[hbm4b:s26+s2] =	stream.linear.scatter [tilespmem:s7], [sflag:$0x4], $0xA000, $0x38;
	[tilespmem:$0x1A400] =	vst v63  }
0xa2: {  	_ =	swait.ge [sflag:s13], $0xA000  }
0xa3: {  	[sflag:s13] =	ssyncset.done $0x0  }
0xa4: {  	[sflag:s13] =	ssyncadd.s32 $0xFFFF6000  }
0xa5: {  	[tilespmem:s7], [sflag:$0x2] =	stream.indirect.gather [hbm4b:s4+s5], $0x10, s28, s5, $0xb8;
	[tilespmem:$0x1A400] =	vst v63  }
0xa6: {  	_ =	swait.ge [sflag:s8], $0xA000  }
0xa7: {  	[sflag:s8] =	ssyncset.done $0x0  }
0xa8: {  	[sflag:s8] =	ssyncadd.s32 $0xFFFF6000  }
0xa9: {  	[hbm4b:s29+s2] =	stream.linear.scatter [tilespmem:s6], [sflag:$0x3], $0xA000, $0x38;
	[tilespmem:$0x1A400] =	vst v63  }
0xaa: {  	_ =	swait.ge [sflag:s12], $0xA000  }
0xab: {  	[sflag:s12] =	ssyncset.done $0x0  }
0xac: {  	p0 =	sne.s32 s31, $0x1;
	[sflag:s12] =	ssyncadd.s32 $0xFFFF6000  }
0xad: {  	[hbm4b:s30+s2] =	stream.linear.scatter [tilespmem:s7], [sflag:$0x4], $0xA000, $0x38;
	[tilespmem:$0x1A400] =	vst v63  }
.Ltmp1:
0xae: {  	_ =	swait.ge [sflag:s10], $0xA000;
	(pc) =	sbr.rel @p0 .LBB2_1-.Ltmp1, $4  }
0xaf: {  	[sflag:s10] =	ssyncset.done $0x0  }
0xb0: {  	[sflag:s10] =	ssyncadd.s32 $0xFFFF6000  }
0xb1: {  	_ =	swait.ge [sflag:s13], $0xA000  }
0xb2: {  	s31 =	sadd.s32 $0xFFFFFFFF, s31;
	[sflag:s13] =	ssyncset.done $0x0  }
.LBB2_2:
0xb3: {  	[sflag:s13] =	ssyncadd.s32 $0xFFFF6000  }
0xb4: {  	_ =	sfence.sel $0x180000  }
0xb5: {  	[bflag:$0x0] =	sbarrier.arrive $0xFFFF  }
0xb6: {  	_ =	strace $0x90000047  }
0xb7: {  	[bflag:$0x2] =	sbarrier.arrive $0xFFFF  }
0xb8: {  	p0 =	sne.s32 s0, $0x0;
	s0 =	rddreg [dreg:$0x2]  }
0xb9: {  	s0 =	sadd.s32 @!p0 $0x100000, s0  }
0xba: {  	[sflag:s0] =	ssyncadd.tile.s32 @!p0 $0x1;
	_ =	shalt  }
.Lfunc_end2:
_tile_overlayer_lowered:
.L_overlay_start_2:
0xbb: {  	(tag) =	ssettag $0x2  }
0xbc: {  	s0 =	rddreg [dreg:$0x0];
	s2 =	stileid.u32  }
0xbd: {  	s1 =	rddreg [dreg:$0x1];
	p0 =	sne.s32 s2, $0x0  }
0xbe: {  	s3 =	rddreg [dreg:$0x2];
	[bflag:$0x3] =	sbarrier.arrive $0xFFFF;
	s2 =	simm.s32 @!p0 $0x1C05  }
0xbf: {  	[timem:s3], [sflag:s2] =	dma.local @!p0 [hbm:s0], s1  }
0xc0: {  	s0 =	simm.s32 @!p0 $0x5  }
0xc1: {  	_ =	swait.ge @!p0 [sflag:s0], s1  }
0xc2: {  	s1 =	ssub.s32 @!p0 $0x0, s1;
	[sflag:s0] =	ssyncset.done @!p0 $0x0  }
0xc3: {  	[sflag:s0] =	ssyncadd.s32 @!p0 s1  }
0xc4: {  	[bflag:$0x3] =	sbarrier.arrive $0xFFFF  }
0xc5: {  	_ =	shalt  }

// kernel: sparse-core-data-format-call.cloned.1.call-start
scs
called_computation_lowered:
.L_overlay_start_0:
0x0: {  	s2 =	sld [smem:$0x3FD9]  }
0x1: {  	s3 =	sld [smem:$0x3FFE];
	_ =	sdelay $0x1  }
0x2: {  	s1 =	srdreg.scid  }
0x3: {  	s0 =	sand.u32 $0x1, s1  }
0x4: {  	s18 =	sshll.u32 s0, $0xA;
	s2 =	sadd.s32 s3, s2  }
0x5: {  	s2 =	sadd.s32 s2, s18  }
0x6: {  	[smem:$0x3FC6] =	sst s2  }
0x7: {  	_ = 	snop  }
0x8: {  	s2 =	sld [smem:$0x3FD0];
	(tm) =	ssettm $0x1  }
0x9: {  	s19 =	sld [smem:$0x3FFB];
	_ =	sdelay $0x3  }
0xa: {  	_ =	strace s19  }
0xb: {  	s3 =	sld [smem:$0x3FFC];
	_ =	sdelay $0x3  }
0xc: {  	_ =	strace s3  }
0xd: {  	s3 =	sld [smem:$0x3FFD];
	_ =	sdelay $0x3  }
0xe: {  	_ =	strace s3  }
0xf: {  	_ =	strace $0x8FFFFFFF  }
0x10: {  	s20 =	sld [smem:$0x3FDB];
	_ =	sdelay $0x1  }
0x11: {  	s4 =	simm.s32 $_scs_section_size  }
0x12: {  	s5 =	simm.s32 $_size__tile_overlayer_lowered;
	s6 =	simm.s32 $_tile_overlayer_lowered  }
0x13: {  	s23 =	simm.s32 $0x1BFF;
	s22 =	sshll.u32 s6, $0x1;
	s3 =	sadd.s32 s4, s20  }
0x14: {  	s7 =	simm.s32 $0x0;
	s21 =	sshll.u32 s5, $0x1;
	s5 =	sadd.s32 s22, s3  }
0x15: {  	[timem:s7], [sflag:s23] =	dma.local [hbm:s5], s21  }
0x16: {  	_ =	swait.ge [sflag:s23], s21  }
0x17: {  	s4 =	ssub.s32 $0x0, s21;
	[sflag:s23] =	ssyncset.done $0x0  }
0x18: {  	[sflag:s23] =	ssyncadd.s32 s4;
	_ =	sdelay $0x1  }
0x19: {  	s24 =	simm.s32 $0x1B8B  }
0x1a: {  	_ =	swait.ge [sflag:s24], $0x1  }
0x1b: {  	[sflag:s24] =	ssyncset.done $0x0  }
0x1c: {  	s26 =	simm.s32 $0x1B8E;
	s25 =	sld [smem:$0x3FFE];
	[sflag:s24] =	ssyncadd.s32 $0xFFFFFFFF  }
0x1d: {  	s27 =	simm.s32 $execute0_lowered;
	[smem:$0x3FD2] =	sst s26  }
0x1e: {  	s5 =	sshll.u32 s27, $0x1;
	_ =	strace $0x80000049;
	[dreg:$0x1] =	wrdreg $0xFFFFFFFF  }
0x1f: {  	s28 =	simm.s32 $_size_execute0_lowered;
	s3 =	sadd.s32 s3, s5;
	[dreg:$0x0] =	wrdreg $0x0  }
0x20: {  	s5 =	sshll.u32 s28, $0x1;
	[dreg:$0x2] =	wrdreg s3  }
0x21: {  	[dreg:$0x3] =	wrdreg s5  }
0x22: {  	[dreg:$0x4] =	wrdreg $0xC0  }
0x23: {  	_ =	task [dreg:s7], $0x5FFFF  }
0x24: {  	[dreg:$0x1] =	wrdreg $0xFFFFFFFF  }
0x25: {  	[dreg:$0x0] =	wrdreg $0x60  }
0x26: {  	[dreg:$0x2] =	wrdreg s25  }
0x27: {  	[dreg:$0x3] =	wrdreg s2  }
0x28: {  	[dreg:$0x4] =	wrdreg $0x9  }
0x29: {  	_ =	task.clear_ibuf [dreg:s7], $0x5FFFF;
	_ =	strace $0x90000049  }
0x2a: {  	s29 =	simm.s32 $0x9;
	_ =	strace $0x8000004B  }
0x2b: {  	_ =	swait.ge [sflag:s29], $0x1  }
0x2c: {  	[sflag:s29] =	ssyncadd.s32 $0xFFFFFFFF  }
0x2d: {  	_ =	strace $0x9000004B  }
0x2e: {  	_ =	sfence  }
0x2f: {  	s30 =	sld [smem:$0x0];
	_ =	sdelay $0x2  }
0x30: {  	s31 =	sshll.u32 s1, $0xD;
	s1 =	sshrl.u32 s1, $0x2  }
0x31: {  	s3 =	sand.u32 $0x4000, s31;
	s1 =	sadd.s32 s1, s30  }
0x32: {  	s0 =	sor.u32 s3, s0;
	s1 =	sshll.u32 s1, $0x11  }
0x33: {  	s0 =	sor.u32 s1, s0  }
0x34: {  	s0 =	sadd.s32 $0x8F2B, s0  }
0x35: {  	[sflag:s0] =	ssyncadd.remote.s32 $0x1  }
0x36: {  	_ =	sfence.sel $0xFFFF  }
0x37: {  	[dreg:$0x0] =	wrdreg $0xFFFFFFFF;
	(pc) =	sbr.abs _section_cstart, $3  }
0x38: {  	[dreg:$0x1] =	wrdreg $0xFFFFFFFF  }
0x39: {  	_ =	task.clear_ibuf [dreg:s7], $0x2FFFF;
	_ =	strace $0x9FFFFFFF  }
0x3a: {  	(tm) =	ssettm $0x7FFFFFFF  }
0x3b: {  	_ =	shalt  }
tec
execute0_lowered:
.L_overlay_start_1:
0x0: {  	(tag) =	ssettag $0x1  }
0x1: {  	s0 =	srdreg.scid  }
0x2: {  	s1 =	sshll.u32 s0, $0x4  }
0x3: {  	s6 =	rddreg [dreg:$0x0];
	s0 =	stileid.u32;
	s1 =	sand.u32 $0x10, s1  }
0x4: {  	s3 =	rddreg [dreg:$0x1];
	s1 =	sor.u32 s0, s1  }
0x5: {  	s5 =	simm.s32 $0x1;
	s31 =	simm.s32 $0x2;
	s2 =	sshll.u32 s1, $0x7  }
0x6: {  	s15 =	simm.s32 $0x0;
	s8 =	simm.s32 $0x20000;
	s4 =	ssub.s32 $0x4000, s2  }
0x7: {  	s14 =	simm.s32 $0x0;
	s9 =	simm.s32 $0x0;
	s30 =	sand.u32 $0xF80, s4  }
0x8: {  	s10 =	simm.s32 $0x0;
	s11 =	simm.s32 $0x0;
	p0 =	sne.s32 s30, $0x0  }
.Ltmp0:
0x9: {  	s7 =	sshrl.u32 s4, $0xC;
	s5 =	simm.s32 @!p0 $0x0;
	(pc) =	sbr.rel .LBB1_1-.Ltmp0, $4  }
0xa: {  	s13 =	simm.s32 $0x0;
	s1 =	rddreg [dreg:$0x2];
	s5 =	sadd.s32 s5, s7  }
0xb: {  	_ =	strace $0x8000004A;
	s4 =	simm.s32 $0x1;
	s5 =	smul.u32 $0x7, s5  }
0xc: {  	s6 =	sadd.s32 $0xA00, s6;
	s12 =	smov.u32 s2;
	[sflag:s4] =	ssyncpa.u1 $0x0  }
0xd: {  	[sflag:s31] =	ssyncpa.u1 $0x0;
	p0 =	por $0x0, $0x0;
	s7 =	sadd.s32 $0x1, s5  }
.LBB1_4:
0xe: {  	s20 =	sshra.s32 s20, $0x2  }
0xf: {  	s28 =	sand.u32 $0x78, s10;
	s21 =	sshll.u32 s9, $0xE;
	s22 =	sshll.u32 s10, $0x3  }
0x10: {  	s24 =	sshll.u32 s9, $0x7;
	p1 =	sgt.s32 s9, $0x2A0;
	s30 =	sshra.s32 s9, $0x1F  }
0x11: {  	s26 =	sshra.s32 s10, $0x1F;
	s19 =	sadd.s32 s20, s19;
	s21 =	sand.u32 $0xFFFE0000, s21  }
0x12: {  	v5 =	vld [tilespmem:s17+$0xFFFFFFD0];
	[tilespmem:s18+$0x2040 ss:$0x81] =	vst.msk $0xffff, v4;
	s23 =	sand.u32 $0xFFFFFC00, s22;
	s29 =	sand.u32 $0x380, s24;
	s22 =	sand.u32 $0x3C00, s22  }
0x13: {  	v58 =	vld [tilespmem:s17+$0xFFFFFFE0];
	[tilespmem:s18+$0x2850 ss:$0x81] =	vst.msk $0xffff, v3;
	s21 =	sadd.s32 s23, s21;
	s20 =	sor.u32 s28, s22;
	s22 =	smov.u32 s9  }
0x14: {  	v59 =	vld [tilespmem:s17+$0xFFFFFFF0];
	[tilespmem:s18+$0x3060 ss:$0x81] =	vst.msk $0xffff, v2;
	s24 =	sand.u32 s30, s9;
	s21 =	sshrl.u32 s21, $0xE;
	s22 =	simm.s32 @!p1 $0x2A0  }
0x15: {  	v60 =	vld [tilespmem:s17+$0x0];
	[tilespmem:s18+$0x0 ss:$0x81] =	vst.msk $0xffff, v1;
	p1 =	sgt.s32 s10, $0x3F80;
	s31 =	ssub.s32 s22, s24;
	s22 =	smov.u32 s10  }
0x16: {  	v61 =	vld [tilespmem:s17+$0x10];
	[tilespmem:s19+$0x3870 ss:$0x81] =	vst.msk $0xffff, v0;
	s25 =	smulhi.u32 $0x51EB86, s21;
	s24 =	sand.u32 s26, s10;
	s22 =	simm.s32 @!p1 $0x3F80  }
0x17: {  	v62 =	vld [tilespmem:s17+$0x20];
	s20 =	sor.u32 s29, s20;
	[tilespmem:s19+$0x810 ss:$0x81] =	vst.msk $0xffff, v5;
	s27 =	sadd.s32 $0xFFFFFD60, s31;
	s22 =	ssub.s32 s22, s24  }
0x18: {  	v63 =	vld [tilespmem:s17+$0xFFFFFFC0];
	[tilespmem:s19+$0x1020 ss:$0x81] =	vst.msk $0xffff, v58;
	s18 =	ssub.s32 $0x320, s31;
	s28 =	smul.u32 $0x320, s25;
	s29 =	sadd.s32 $0xFFFFC080, s22  }
0x19: {  	[tilespmem:s19+$0x1830 ss:$0x81] =	vst.msk $0xffff, v59;
	p1 =	sgt.s32 s27, $0x7F;
	s22 =	ssub.s32 $0x4000, s22;
	p2 =	sgt.s32 s29, $0x7F  }
0x1a: {  	s30 =	sand.u32 $0x7, s10;
	[tilespmem:s19+$0x2040 ss:$0x81] =	vst.msk $0xffff, v60;
	s18 =	simm.s32 @p1 $0x0;
	s22 =	simm.s32 @p2 $0x0  }
0x1b: {  	s20 =	sshrl.u32 s20, $0x3;
	[tilespmem:s19+$0x2850 ss:$0x81] =	vst.msk $0xffff, v61;
	s17 =	ssub.s32 s21, s28;
	s18 =	smul.u32 s22, s18  }
0x1c: {  	[tilespmem:s19+$0x3060 ss:$0x81] =	vst.msk $0xffff, v62;
	s20 =	sadd.s32 s3, s20;
	s21 =	sshll.u32 s30, $0x12;
	s17 =	sshll.u32 s17, $0xB  }
0x1d: {  	[tilespmem:s19+$0x0 ss:$0x81] =	vst.msk $0xffff, v63;
	s31 =	sor.u32 $0x400, s21;
	s17 =	sadd.s32 s17, s20;
	s18 =	sand.u32 $0x3FFFFFFF, s18  }
0x1e: {  	[hbm4b:s17+s31] =	stream.strided.scatter [tilespmem:s16], [sflag:$0x2], s18, s8, s31, $0x20;
	[tilespmem:$0x10100] =	vst v63  }
.LBB1_5:
0x1f: {  	p1 =	slt.u32 s13, $0x2  }
0x20: {  	s17 =	smov.u32 s15;
	p2 =	sgt.s32 @!p1 s15, $0x2A0;
	s16 =	sshra.s32 @!p1 s15, $0x1F  }
0x21: {  	p3 =	sgt.s32 @!p1 s14, $0x3F80;
	s18 =	sshra.s32 @!p1 s14, $0x1F;
	p2 =	por !p2, p1  }
0x22: {  	s15 =	sand.u32 @!p1 s16, s15;
	p3 =	por !p3, p1;
	s16 =	smov.u32 s14  }
0x23: {  	s14 =	sand.u32 @!p1 s18, s14;
	s17 =	simm.s32 @p2 $0x2A0;
	s16 =	simm.s32 @p3 $0x3F80  }
0x24: {  	s15 =	ssub.s32 @!p1 s17, s15;
	s14 =	ssub.s32 @!p1 s16, s14  }
0x25: {  	s18 =	smov.u32 s12;
	s16 =	sadd.s32 @!p1 $0xFFFFFD60, s15;
	s17 =	sadd.s32 @!p1 $0xFFFFC080, s14  }
0x26: {  	s15 =	ssub.s32 @!p1 $0x320, s15;
	p2 =	sgt.s32 @!p1 s16, $0x7F;
	p3 =	sgt.s32 @!p1 s17, $0x7F  }
0x27: {  	s14 =	ssub.s32 @!p1 $0x4000, s14;
	p2 =	por !p2, p1;
	p3 =	por !p3, p1  }
0x28: {  	s16 =	sadd.s32 $0x80, s11;
	s15 =	simm.s32 @!p2 $0x0;
	s14 =	simm.s32 @!p3 $0x0  }
0x29: {  	p2 =	sgt.s32 s16, $0x31F;
	s14 =	smul.u32 @!p1 s14, s15;
	s15 =	sadd.s32 $0x1000, s12  }
0x2a: {  	s18 =	smov.u32 @p2 s15  }
0x2b: {  	s16 =	simm.s32 @p2 $0x0;
	p2 =	sgt.s32 s18, $0x3FFF  }
0x2c: {  	s18 =	smov.u32 @p2 s2;
	p2 =	sne.s32 s13, s7  }
.Ltmp1:
0x2d: {  	p0 =	por !p0, !p0;
	s17 =	simm.s32 @!p1 $0x2;
	(pc) =	sbr.rel @!p2 .LBB1_6-.Ltmp1, $4  }
0x2e: {  	s15 =	smov.u32 s9;
	s9 =	smov.u32 s11;
	s14 =	sand.u32 @!p1 $0x3FFFFFFF, s14  }
0x2f: {  	s11 =	smov.u32 s16;
	_ =	swait.ge @!p1 [sflag:s17], s14;
	s19 =	ssub.s32 @!p1 $0x0, s14  }
0x30: {  	s14 =	smov.u32 s10;
	s13 =	sadd.s32 $0x1, s13;
	[sflag:s17] =	ssyncset.done @!p1 $0x0  }
0x31: {  	s10 =	smov.u32 s12;
	s12 =	smov.u32 s18;
	[sflag:s17] =	ssyncadd.s32 @!p1 s19  }
.LBB1_1:
0x32: {  	p1 =	sge.u32 s13, s5  }
0x33: {  	s16 =	sshrl.u32 @!p1 s12, $0x3  }
0x34: {  	s17 =	sshll.u32 @!p1 s11, $0x3;
	s16 =	smul.u32 @!p1 $0x1C00, s16  }
0x35: {  	s18 =	sshll.u32 @!p1 s12, $0x7;
	s17 =	sand.u32 @!p1 $0xFFFFFC00, s17  }
0x36: {  	s16 =	sadd.s32 @!p1 s16, s17;
	s17 =	sand.u32 @!p1 $0x380, s18  }
0x37: {  	s16 =	sor.u32 @!p1 s17, s16  }
0x38: {  	s17 =	sshrl.u32 @!p1 s16, $0x7  }
0x39: {  	s17 =	smulhi.u32 @!p1 $0x24924925, s17;
	_ =	sdelay $0x1  }
0x3a: {  	s18 =	sand.u32 @!p1 $0x7F, s11;
	s19 =	smul.u32 @!p1 $0x380, s17  }
0x3b: {  	s31 =	sadd.s32 $0xFFFFFFFF, s13;
	s16 =	sor.u32 @!p1 s18, s16;
	s18 =	sxor.u32 @!p1 $0xFFFFFFFF, s13  }
0x3c: {  	s18 =	sshll.u32 @!p1 s18, $0xE;
	s17 =	sand.u32 @!p1 $0x3FFF, s17;
	s16 =	ssub.s32 @!p1 s16, s19  }
0x3d: {  	s17 =	smul.u32 @!p1 $0x70, s17;
	s19 =	sshrl.u32 @!p1 s16, $0x3;
	s16 =	sand.u32 @!p1 $0x7, s16  }
0x3e: {  	s18 =	sand.u32 @!p1 $0x4000, s18;
	s19 =	sadd.s32 @!p1 s6, s19;
	s16 =	sshll.u32 @!p1 s16, $0x12  }
0x3f: {  	s17 =	sadd.s32 @!p1 s17, s19;
	s16 =	sor.u32 @!p1 $0x400, s16;
	s19 =	simm.s32 @!p1 $0x1C00  }
0x40: {  	[tilespmem:s18], [sflag:$0x1] =	stream.strided.gather @!p1 [hbm4b:s17+s16], $0x4000, s19, s16, $0x38;
	[tilespmem:$0x10100] =	vst v63  }
0x41: {  	p1 =	sge.u32 s31, s5  }
.Ltmp2:
0x42: {  	_ = 	snop;
	(pc) =	sbr.rel @p1 .LBB1_5-.Ltmp2, $1  }
0x43: {  	_ =	sdelay $0x3  }
0x44: {  	s16 =	simm.s32 $0x1  }
0x45: {  	_ =	swait.ge [sflag:s4], $0x4000;
	s16 =	simm.s32 @!p0 $0x0  }
0x46: {  	[sflag:s4] =	ssyncset.done $0x0;
	s17 =	sshll.u32 s16, $0xE  }
0x47: {  	[sflag:s4] =	ssyncadd.s32 $0xFFFFC000;
	s17 =	sor.u32 $0x40, s17  }
0x48: {  	s16 =	smul.u32 $0x10200, s16;
	v0 =	vld [tilespmem:s17+$0x30]  }
0x49: {  	v1 =	vld [tilespmem:s17+$0xFFFFFFD0]  }
0x4a: {  	s16 =	sshrl.u32 s16, $0x2;
	v5 =	vld [tilespmem:s17+$0xFFFFFFE0]  }
0x4b: {  	v6 =	vld [tilespmem:s17+$0xFFFFFFF0];
	s19 =	sor.u32 $0x8000, s16  }
0x4c: {  	s31 =	sand.u32 $0x1, s13;
	v4 =	vld [tilespmem:s17+$0x0];
	s18 =	sadd.s32 $0x0, s19  }
0x4d: {  	v3 =	vld [tilespmem:s17+$0x10];
	s16 =	smul.u32 $0x10200, s31;
	[tilespmem:s18+$0x3870 ss:$0x81] =	vst.msk $0xffff, v0  }
0x4e: {  	v2 =	vld [tilespmem:s17+$0x20];
	[tilespmem:s18+$0x810 ss:$0x81] =	vst.msk $0xffff, v1  }
0x4f: {  	s16 =	sshrl.u32 s16, $0x2;
	v1 =	vld [tilespmem:s17+$0xFFFFFFC0];
	[tilespmem:s18+$0x1020 ss:$0x81] =	vst.msk $0xffff, v5;
	s17 =	sadd.s32 $0x80, s17  }
0x50: {  	s20 =	simm.s32 $0x4;
	s21 =	simm.s32 $0x8;
	s16 =	sor.u32 $0x8000, s16;
	[tilespmem:s18+$0x1830 ss:$0x81] =	vst.msk $0xffff, v6;
	v0 =	vld [tilespmem:s17+$0x30]  }
.LBB1_3:
0x51: {  	p1 =	sne.s32 s21, $0x1FC;
	v5 =	vld [tilespmem:s17+$0xFFFFFFD0];
	[tilespmem:s18+$0x2040 ss:$0x81] =	vst.msk $0xffff, v4  }
0x52: {  	v6 =	vld [tilespmem:s17+$0xFFFFFFE0];
	[tilespmem:s18+$0x2850 ss:$0x81] =	vst.msk $0xffff, v3  }
0x53: {  	s22 =	sshra.s32 s20, $0x2;
	s20 =	smov.u32 s21;
	v7 =	vld [tilespmem:s17+$0xFFFFFFF0];
	[tilespmem:s18+$0x3060 ss:$0x81] =	vst.msk $0xffff, v2  }
.Ltmp3:
0x54: {  	v4 =	vld [tilespmem:s17+$0x0];
	[tilespmem:s18+$0x0 ss:$0x81] =	vst.msk $0xffff, v1;
	s18 =	sadd.s32 s22, s19;
	(pc) =	sbr.rel @p1 .LBB1_3-.Ltmp3, $4  }
0x55: {  	v3 =	vld [tilespmem:s17+$0x10];
	[tilespmem:s18+$0x3870 ss:$0x81] =	vst.msk $0xffff, v0  }
0x56: {  	[tilespmem:s18+$0x810 ss:$0x81] =	vst.msk $0xffff, v5;
	v2 =	vld [tilespmem:s17+$0x20]  }
0x57: {  	v1 =	vld [tilespmem:s17+$0xFFFFFFC0];
	[tilespmem:s18+$0x1020 ss:$0x81] =	vst.msk $0xffff, v6;
	s17 =	sadd.s32 $0x80, s17  }
0x58: {  	s21 =	sadd.s32 $0x4, s21;
	v0 =	vld [tilespmem:s17+$0x30];
	[tilespmem:s18+$0x1830 ss:$0x81] =	vst.msk $0xffff, v7  }
.Ltmp4:
0x59: {  	_ = 	snop;
	(pc) =	sbr.rel .LBB1_4-.Ltmp4, $1  }
0x5a: {  	_ =	sdelay $0x3  }
.LBB1_6:
0x5b: {  	_ =	sfence.sel $0x180000  }
0x5c: {  	s2 =	simm.s32 $0x1;
	[bflag:$0x0] =	sbarrier.arrive $0xFFFF  }
0x5d: {  	s31 =	simm.s32 $0x2;
	[sflag:s2] =	ssyncpa.u1 $0x1  }
0x5e: {  	[sflag:s31] =	ssyncpa.u1 $0x1  }
0x5f: {  	p0 =	sne.s32 s0, $0x0;
	_ =	strace $0x9000004A  }
0x60: {  	s0 =	sadd.s32 @!p0 $0x100000, s1;
	[bflag:$0x2] =	sbarrier.arrive $0xFFFF  }
0x61: {  	[sflag:s0] =	ssyncadd.tile.s32 @!p0 $0x1;
	_ =	shalt  }
.Lfunc_end1:
_tile_overlayer_lowered:
.L_overlay_start_2:
0x62: {  	(tag) =	ssettag $0x2  }
0x63: {  	s0 =	rddreg [dreg:$0x0];
	s2 =	stileid.u32  }
0x64: {  	s1 =	rddreg [dreg:$0x1];
	p0 =	sne.s32 s2, $0x0  }
0x65: {  	s3 =	rddreg [dreg:$0x2];
	[bflag:$0x3] =	sbarrier.arrive $0xFFFF;
	s2 =	simm.s32 @!p0 $0x1C01  }
0x66: {  	[timem:s3], [sflag:s2] =	dma.local @!p0 [hbm:s0], s1  }
0x67: {  	s0 =	simm.s32 @!p0 $0x1  }
0x68: {  	_ =	swait.ge @!p0 [sflag:s0], s1  }
0x69: {  	s1 =	ssub.s32 @!p0 $0x0, s1;
	[sflag:s0] =	ssyncset.done @!p0 $0x0  }
0x6a: {  	[sflag:s0] =	ssyncadd.s32 @!p0 s1  }
0x6b: {  	[bflag:$0x3] =	sbarrier.arrive $0xFFFF  }
0x6c: {  	_ =	shalt  }

</sc_bundles>
